<compile_context>
chip_gen: v7x
topology: tpu7x:2x2x1
jax: 0.10.2.dev20260603
libtpu: 0.0.44.dev20260713+nightly
codegen_flags: <defaults>
</compile_context>

<pallas_src>
import functools

import jax
import jax.numpy as jnp
from jax import lax
from jax.experimental import pallas as pl
from jax.experimental.pallas import tpu as pltpu
from jax.experimental.pallas import tpu_sc as plsc

N_NODES = 10000
N_EDGES = 320000
F = 128
EXTRA = 16

NC = 2
NS = 16
L = 16

NW = NC * NS
CH = 128
NP = 10240
ROWS_PER_TILE = NP // NS
NCHUNK = 80
EPT = NCHUNK * CH
EP = EPT * NW
NBUF = 2
NROUND = NCHUNK // NBUF

_SELU_ALPHA = 1.6732632423543772
_SELU_SCALE = 1.0507009873554805


def _selu(x):
    return _SELU_SCALE * jnp.where(x > 0, x, _SELU_ALPHA * (jnp.exp(x) - 1.0))


def _mesh():
    return plsc.VectorSubcoreMesh(core_axis_name="c", subcore_axis_name="s")



def _fill_2d(ref, rows, value):
    cols = ref.shape[1]

    @pl.loop(0, rows)
    def _(i):
        @pl.loop(0, cols, step=L)
        def _(j):
            ref[i, pl.ds(j, L)] = jnp.full((L,), value, dtype=ref.dtype)


def _degrees_body(src_hbm, dst_hbm, dego_hbm, degi_hbm,
                  idx_v, acc_o, acc_i):
    cid = lax.axis_index("c")
    sid = lax.axis_index("s")
    wid = cid * NS + sid

    @pl.loop(0, NP, step=L)
    def _(i):
        z = jnp.zeros((L,), jnp.float32)
        acc_o[pl.ds(i, L)] = z
        acc_i[pl.ds(i, L)] = z

    ones = jnp.full((L,), 1.0, jnp.float32)

    @pl.loop(0, NCHUNK)
    def _(k):
        base = wid * EPT + k * CH
        pltpu.sync_copy(src_hbm.at[pl.ds(base, CH)], idx_v)

        @pl.loop(0, CH, step=L)
        def _(j):
            plsc.addupdate_scatter(acc_o, [idx_v[pl.ds(j, L)]], ones)

        pltpu.sync_copy(dst_hbm.at[pl.ds(base, CH)], idx_v)

        @pl.loop(0, CH, step=L)
        def _(j):
            plsc.addupdate_scatter(acc_i, [idx_v[pl.ds(j, L)]], ones)

    pltpu.sync_copy(acc_o, dego_hbm.at[wid])
    pltpu.sync_copy(acc_i, degi_hbm.at[wid])


def _deg_compiler_params():
    import dataclasses
    cp = pltpu.CompilerParams()
    if "needs_layout_passes" in pltpu.CompilerParams.__dataclass_fields__:
        cp = dataclasses.replace(cp, needs_layout_passes=False)
    return cp


def _sc_degrees(src, dst):
    k = pl.kernel(
        _degrees_body,
        out_type=(
            jax.ShapeDtypeStruct((NW, NP), jnp.float32),
            jax.ShapeDtypeStruct((NW, NP), jnp.float32),
        ),
        mesh=_mesh(),
        scratch_types=[
            pltpu.VMEM((CH,), jnp.int32),
            pltpu.VMEM((NP,), jnp.float32),
            pltpu.VMEM((NP,), jnp.float32),
        ],
        compiler_params=_deg_compiler_params(),
    )
    return k(src, dst)


def _agg_body(h_hbm, src_hbm, dst_hbm, out_hbm,
              sidx_all, dib, buf, acc):
    cid = lax.axis_index("c")
    sid = lax.axis_index("s")
    wid = cid * NS + sid

    pltpu.sync_copy(src_hbm.at[pl.ds(wid * EPT, EPT)], sidx_all)

    _fill_2d(buf, CH, 0.0)

    @pl.loop(0, ROWS_PER_TILE, step=CH)
    def _(r):
        pltpu.sync_copy(buf, acc.at[pl.ds(sid * ROWS_PER_TILE + r, CH)])

    plsc.subcore_barrier()

    @pl.loop(0, NCHUNK)
    def _(k):
        pltpu.sync_copy(h_hbm.at[sidx_all.at[pl.ds(k * CH, CH)]], buf)
        pltpu.sync_copy(dst_hbm.at[pl.ds(wid * EPT + k * CH, CH)], dib)
        pltpu.sync_copy(buf, acc.at[dib], add=True)

    plsc.subcore_barrier()

    r0 = sid * ROWS_PER_TILE
    pltpu.sync_copy(acc.at[pl.ds(r0, ROWS_PER_TILE)],
                    out_hbm.at[cid].at[pl.ds(r0, ROWS_PER_TILE)])


def _sc_aggregate(h, src, dst):
    k = pl.kernel(
        _agg_body,
        out_type=jax.ShapeDtypeStruct((NC, NP, F), jnp.float32),
        mesh=_mesh(),
        scratch_types=[
            pltpu.VMEM((EPT,), jnp.int32),
            pltpu.VMEM((CH,), jnp.int32),
            pltpu.VMEM((CH, F), jnp.float32),
            pltpu.VMEM_SHARED((NP, F), jnp.float32),
        ],
    )
    return k(h, src, dst)



def _norm_body(dego_ref, degi_ref, x_ref, hs_ref, ns_ref, nd_ref):
    do = jnp.sum(dego_ref[...], axis=1, keepdims=True)
    di = jnp.sum(degi_ref[...], axis=1, keepdims=True)
    ns = jnp.where(do > 0, lax.rsqrt(do), 0.0)
    nd = jnp.where(di > 0, lax.rsqrt(di), 0.0)
    ns_ref[...] = ns
    nd_ref[...] = nd
    hs_ref[...] = x_ref[...] * ns


def _tc_norms(dego, degi, xp):
    return pl.pallas_call(
        _norm_body,
        out_shape=(
            jax.ShapeDtypeStruct((NP, F), jnp.float32),
            jax.ShapeDtypeStruct((NP, 1), jnp.float32),
            jax.ShapeDtypeStruct((NP, 1), jnp.float32),
        ),
    )(dego, degi, xp)


RB = 1024


def _layer_body(m_ref, nd_ref, ns_ref, w_ref, b_ref, out_ref):
    a = (m_ref[0] + m_ref[1]) * nd_ref[...]
    h = lax.dot_general(a, w_ref[...], (((1,), (0,)), ((), ())),
                        precision=lax.Precision.HIGHEST,
                        preferred_element_type=jnp.float32)
    h = _selu(h + b_ref[...])
    out_ref[...] = h * ns_ref[...]


def _tc_layer(m_p, nd, ns, w, b):
    grid = NP // RB
    return pl.pallas_call(
        _layer_body,
        grid=(grid,),
        in_specs=[
            pl.BlockSpec((NC, RB, F), lambda i: (0, i, 0)),
            pl.BlockSpec((RB, 1), lambda i: (i, 0)),
            pl.BlockSpec((RB, 1), lambda i: (i, 0)),
            pl.BlockSpec((F, F), lambda i: (0, 0)),
            pl.BlockSpec((1, F), lambda i: (0, 0)),
        ],
        out_specs=pl.BlockSpec((RB, F), lambda i: (i, 0)),
        out_shape=jax.ShapeDtypeStruct((NP, F), jnp.float32),
    )(m_p, nd, ns, w, b)


def _pool_body(m_ref, nd_ref, w_ref, b_ref, out_ref):
    i = pl.program_id(0)
    a = (m_ref[0] + m_ref[1]) * nd_ref[...]
    h = lax.dot_general(a, w_ref[...], (((1,), (0,)), ((), ())),
                        precision=lax.Precision.HIGHEST,
                        preferred_element_type=jnp.float32)
    h = _selu(h + b_ref[...])
    row = i * RB + lax.broadcasted_iota(jnp.int32, (RB, F), 0)
    h = jnp.where(row < N_NODES, h, 0.0)
    ps = jnp.sum(h, axis=0, keepdims=True)

    @pl.when(i == 0)
    def _():
        out_ref[...] = jnp.zeros_like(out_ref)

    out_ref[...] += ps


def _tc_layer3_pool(m_p, nd, w, b):
    grid = NP // RB
    return pl.pallas_call(
        _pool_body,
        grid=(grid,),
        in_specs=[
            pl.BlockSpec((NC, RB, F), lambda i: (0, i, 0)),
            pl.BlockSpec((RB, 1), lambda i: (i, 0)),
            pl.BlockSpec((F, F), lambda i: (0, 0)),
            pl.BlockSpec((1, F), lambda i: (0, 0)),
        ],
        out_specs=pl.BlockSpec((1, F), lambda i: (0, 0)),
        out_shape=jax.ShapeDtypeStruct((1, F), jnp.float32),
    )(m_p, nd, w, b)


def _head_body(es_ref, fg_ref, w1a_ref, w1b_ref, b1_ref, w2_ref, b2_ref,
               w3_ref, b3_ref, out_ref):
    emb = es_ref[...] * (1.0 / N_NODES)
    t = (lax.dot_general(emb, w1a_ref[...], (((1,), (0,)), ((), ())),
                         precision=lax.Precision.HIGHEST,
                         preferred_element_type=jnp.float32)
         + lax.dot_general(fg_ref[...], w1b_ref[...], (((1,), (0,)), ((), ())),
                           precision=lax.Precision.HIGHEST,
                           preferred_element_type=jnp.float32))
    z = _selu(t + b1_ref[...])
    z = _selu(lax.dot_general(z, w2_ref[...], (((1,), (0,)), ((), ())),
                              precision=lax.Precision.HIGHEST,
                              preferred_element_type=jnp.float32)
              + b2_ref[...])
    out_ref[...] = (lax.dot_general(z, w3_ref[...], (((1,), (0,)), ((), ())),
                                    precision=lax.Precision.HIGHEST,
                                    preferred_element_type=jnp.float32)
                    + b3_ref[...])


def _tc_head(emb_sum, fg, w1a, w1b, b1, w2, b2, w3, b3):
    return pl.pallas_call(
        _head_body,
        out_shape=jax.ShapeDtypeStruct((1, 1), jnp.float32),
    )(emb_sum, fg, w1a, w1b, b1, w2, b2, w3, b3)



def kernel(feats_node, edge_index, feats_graph, W1, b1, W2, b2, W3, b3,
           Wm1, bm1, Wm2, bm2, Wm3, bm3):
    ei = edge_index.astype(jnp.int32)
    pad = jnp.full((EP - N_EDGES,), NP - 1, dtype=jnp.int32)
    src = jnp.concatenate([ei[0], pad])
    dst = jnp.concatenate([ei[1], pad])

    xp = jnp.zeros((NP, F), jnp.float32).at[:N_NODES].set(feats_node)

    dego, degi = _sc_degrees(src, dst)
    hs, ns, nd = _tc_norms(dego.T, degi.T, xp)

    m1 = _sc_aggregate(hs, src, dst)
    hs2 = _tc_layer(m1, nd, ns, W1, b1.reshape(1, F))

    m2 = _sc_aggregate(hs2, src, dst)
    hs3 = _tc_layer(m2, nd, ns, W2, b2.reshape(1, F))

    m3 = _sc_aggregate(hs3, src, dst)
    emb_sum = _tc_layer3_pool(m3, nd, W3, b3.reshape(1, F))

    return _tc_head(emb_sum, feats_graph,
                    Wm1[:F], Wm1[F:], bm1.reshape(1, 2 * F),
                    Wm2, bm2.reshape(1, F),
                    Wm3, bm3.reshape(1, 1))

# --- scband reference (transcript-rebuilt; emitter-appended) ---
"""Pipeline reference for scband-gcnmodel-31885837205852 (READ-ONLY COPY).

The authoritative reference and input builder live on the scoring server;
editing this copy changes nothing except your own understanding.
"""

import jax, jax.numpy as jnp
import numpy as np

N_NODES = 10000
N_EDGES = 320000
IN_FEATS = 128
HIDDEN = 128
EXTRA = 16


def setup_inputs(seed: int = 0) -> dict:
    key = jax.random.key(seed)
    ks = [jax.random.fold_in(key, i) for i in range(20)]
    inp = {}
    inp['feats_node'] = jax.random.normal(ks[0], (N_NODES, IN_FEATS), dtype=jnp.float32)
    inp['edge_index'] = jax.random.randint(ks[1], (2, N_EDGES), 0, N_NODES, dtype=jnp.int64)
    inp['feats_graph'] = jax.random.normal(ks[2], (1, EXTRA), dtype=jnp.float32)
    # GCN layer weights (init normal std=0.5, zero bias, matching torch init)
    inp['W1'] = 0.5 * jax.random.normal(ks[3], (IN_FEATS, HIDDEN), dtype=jnp.float32)
    inp['b1'] = jnp.zeros((HIDDEN,), dtype=jnp.float32)
    inp['W2'] = 0.5 * jax.random.normal(ks[4], (HIDDEN, HIDDEN), dtype=jnp.float32)
    inp['b2'] = jnp.zeros((HIDDEN,), dtype=jnp.float32)
    inp['W3'] = 0.5 * jax.random.normal(ks[5], (HIDDEN, HIDDEN), dtype=jnp.float32)
    inp['b3'] = jnp.zeros((HIDDEN,), dtype=jnp.float32)
    # MLP: (hidden+extra) -> 2*hidden -> hidden -> 1
    inp['Wm1'] = 0.5 * jax.random.normal(ks[6], (HIDDEN + EXTRA, 2 * HIDDEN), dtype=jnp.float32)
    inp['bm1'] = jnp.zeros((2 * HIDDEN,), dtype=jnp.float32)
    inp['Wm2'] = 0.5 * jax.random.normal(ks[7], (2 * HIDDEN, HIDDEN), dtype=jnp.float32)
    inp['bm2'] = jnp.zeros((HIDDEN,), dtype=jnp.float32)
    inp['Wm3'] = 0.5 * jax.random.normal(ks[8], (HIDDEN, 1), dtype=jnp.float32)
    inp['bm3'] = jnp.zeros((1,), dtype=jnp.float32)
    return inp


def _gcn_layer(x, src, dst, ns, nd, W, b):
    # DGL GraphConv with norm='both': D_out^{-1/2} -> scatter-add over edges -> D_in^{-1/2}, then linear
    h = x * ns[:, None]
    m = jax.ops.segment_sum(jnp.take(h, src, axis=0), dst, num_segments=N_NODES)
    m = m * nd[:, None]
    return m @ W + b


def reference(feats_node, edge_index, feats_graph, W1, b1, W2, b2, W3, b3, Wm1, bm1, Wm2, bm2, Wm3, bm3):
    src = edge_index[0]
    dst = edge_index[1]
    deg_out = jnp.bincount(src, length=N_NODES).astype(jnp.float32)
    deg_in = jnp.bincount(dst, length=N_NODES).astype(jnp.float32)
    ns = jnp.where(deg_out > 0, deg_out ** -0.5, 0.0)
    nd = jnp.where(deg_in > 0, deg_in ** -0.5, 0.0)
    h = _gcn_layer(feats_node, src, dst, ns, nd, W1, b1)
    h = jax.nn.selu(h)
    h = _gcn_layer(h, src, dst, ns, nd, W2, b2)
    h = jax.nn.selu(h)
    h = _gcn_layer(h, src, dst, ns, nd, W3, b3)
    x = jax.nn.selu(h)
    embedding = jnp.mean(x, axis=0, keepdims=True)  # AvgPooling over single batched graph
    z = jnp.concatenate([embedding, feats_graph], axis=1)
    z = jax.nn.selu(z @ Wm1 + bm1)
    z = jax.nn.selu(z @ Wm2 + bm2)
    return z @ Wm3 + bm3

if __name__ == "__main__":
    import jax
    _d = setup_inputs()
    print(jax.jit(kernel)(*tuple(_d.values())))

</pallas_src>

<mosaic_0001>
#map = affine_map<(d0, d1) -> (0, 0)>
#map1 = affine_map<(d0, d1) -> (0)>
#map2 = affine_map<(d0, d1) -> (0, 0, 0)>
module attributes {stable_mosaic.version = 14 : i64} {
  func.func @_agg_body(%arg0: i32, %arg1: i32, %arg2: memref<10240x128xf32, #tpu.memory_space<hbm>>, %arg3: memref<327680xi32, #tpu.memory_space<hbm>>, %arg4: memref<327680xi32, #tpu.memory_space<hbm>>, %arg5: memref<2x10240x128xf32, #tpu.memory_space<hbm>>, %arg6: memref<10240xi32, #tpu.memory_space<vmem>>, %arg7: memref<128xi32, #tpu.memory_space<vmem>>, %arg8: memref<128x128xf32, #tpu.memory_space<vmem>>, %arg9: memref<10240x128xf32, #tpu.memory_space<vmem_shared>>) attributes {dimension_semantics = [#tpu.dimension_semantics<core_parallel>, #tpu.dimension_semantics<subcore_parallel>], iteration_bounds = array<i64: 2, 16>, scalar_prefetch = 0 : i64, scratch_operands = 4 : i64, tpu.core_type = #tpu.core_type<sc_vector_subcore>, window_params = [{transform_indices = #map}, {transform_indices = #map1}, {transform_indices = #map1}, {transform_indices = #map2}]} {
    %mul3A = arith.constant 16 : i32
    %mul3A_0 = arith.muli %arg0, %mul3A : i32
    %add3A = arith.addi %mul3A_0, %arg1 : i32
    %mul3A_1 = arith.constant 10240 : i32
    %mul3A_2 = arith.muli %add3A, %mul3A_1 : i32
    "tpu.region"() ({
      %run_scoped3A = tpu.sem_alloc : memref<!tpu.dma_semaphore, #tpu.memory_space<semaphore_mem>>
      %dma_start3A = tpu.memref_slice %arg3[%mul3A_2] : memref<327680xi32, #tpu.memory_space<hbm>> -> memref<10240xi32, #tpu.memory_space<hbm>>
      %dma_start3A_20 = tpu.memref_slice %arg3[%mul3A_2] : memref<327680xi32, #tpu.memory_space<hbm>> -> memref<10240xi32, #tpu.memory_space<hbm>>
      tpu.enqueue_dma source(%dma_start3A_20 : memref<10240xi32, #tpu.memory_space<hbm>>) target(%arg6 : memref<10240xi32, #tpu.memory_space<vmem>>) target_semaphore(%run_scoped3A : memref<!tpu.dma_semaphore, #tpu.memory_space<semaphore_mem>>)
      %dma_wait3A = tpu.memref_slice %arg3[%mul3A_2] : memref<327680xi32, #tpu.memory_space<hbm>> -> memref<10240xi32, #tpu.memory_space<hbm>>
      %dma_wait3A_21 = tpu.memref_slice %arg3[%mul3A_2] : memref<327680xi32, #tpu.memory_space<hbm>> -> memref<10240xi32, #tpu.memory_space<hbm>>
      tpu.wait_dma2 semaphore(%run_scoped3A : memref<!tpu.dma_semaphore, #tpu.memory_space<semaphore_mem>>) src(%dma_wait3A_21 : memref<10240xi32, #tpu.memory_space<hbm>>) dst(%arg6 : memref<10240xi32, #tpu.memory_space<vmem>>)
      tpu.yield
    }) : () -> ()
    %scan3A = arith.constant 0 : i32
    %scan3A_3 = arith.constant 128 : i32
    %scan3A_4 = arith.addi %scan3A, %scan3A_3 : i32
    %scan3A_5 = arith.constant 1 : i32
    scf.for %scan3A_20 = %scan3A to %scan3A_4 step %scan3A_5  : i32 {
      %mul3A_21 = arith.constant 1 : i32
      %mul3A_22 = arith.muli %scan3A_20, %mul3A_21 : i32
      %add3A_23 = arith.constant 0 : i32
      %add3A_24 = arith.addi %add3A_23, %mul3A_22 : i32
      %scan3A_25 = arith.constant 0 : i32
      %scan3A_26 = arith.constant 8 : i32
      %scan3A_27 = arith.addi %scan3A_25, %scan3A_26 : i32
      %scan3A_28 = arith.constant 1 : i32
      scf.for %scan3A_30 = %scan3A_25 to %scan3A_27 step %scan3A_28  : i32 {
        %mul3A_31 = arith.constant 16 : i32
        %mul3A_32 = arith.muli %scan3A_30, %mul3A_31 : i32
        %add3A_33 = arith.constant 0 : i32
        %add3A_34 = arith.addi %add3A_33, %mul3A_32 : i32
        %broadcast_in_dim3A = arith.constant 0.000000e+00 : f32
        %broadcast_in_dim3A_35 = vector.broadcast %broadcast_in_dim3A : f32 to vector<16xf32>
        %swap3A = arith.index_cast %add3A_24 : i32 to index
        %swap3A_36 = arith.index_cast %add3A_34 : i32 to index
        %swap3A_37 = tpu.vector_load %arg8[%swap3A, %swap3A_36] {strides = array<i32>} : memref<128x128xf32, #tpu.memory_space<vmem>>, vector<1x16xf32>,
        %swap3A_38 = vector.shape_cast %swap3A_37 : vector<1x16xf32> to vector<16xf32>
        %swap3A_39 = vector.shape_cast %broadcast_in_dim3A_35 : vector<16xf32> to vector<1x16xf32>
        tpu.vector_store %arg8[%swap3A, %swap3A_36], %swap3A_39 {strides = array<i32>} : memref<128x128xf32, #tpu.memory_space<vmem>>, vector<1x16xf32>,
      }
      %scan3A_29 = arith.constant 8 : i32
    }
    %scan3A_6 = arith.constant 128 : i32
    %scan3A_7 = arith.constant 0 : i32
    %scan3A_8 = arith.constant 5 : i32
    %scan3A_9 = arith.addi %scan3A_7, %scan3A_8 : i32
    %scan3A_10 = arith.constant 1 : i32
    scf.for %scan3A_20 = %scan3A_7 to %scan3A_9 step %scan3A_10  : i32 {
      %mul3A_21 = arith.constant 128 : i32
      %mul3A_22 = arith.muli %scan3A_20, %mul3A_21 : i32
      %add3A_23 = arith.constant 0 : i32
      %add3A_24 = arith.addi %add3A_23, %mul3A_22 : i32
      %mul3A_25 = arith.constant 640 : i32
      %mul3A_26 = arith.muli %arg1, %mul3A_25 : i32
      %add3A_27 = arith.addi %mul3A_26, %add3A_24 : i32
      "tpu.region"() ({
        %run_scoped3A = tpu.sem_alloc : memref<!tpu.dma_semaphore, #tpu.memory_space<semaphore_mem>>
        %dma_start3A = arith.constant 0 : i32
        %dma_start3A_28 = tpu.memref_slice %arg9[%add3A_27, %dma_start3A] : memref<10240x128xf32, #tpu.memory_space<vmem_shared>> -> memref<128x128xf32, #tpu.memory_space<vmem_shared>>
        %dma_start3A_29 = arith.constant 0 : i32
        %dma_start3A_30 = tpu.memref_slice %arg9[%add3A_27, %dma_start3A_29] : memref<10240x128xf32, #tpu.memory_space<vmem_shared>> -> memref<128x128xf32, #tpu.memory_space<vmem_shared>>
        tpu.enqueue_dma source(%arg8 : memref<128x128xf32, #tpu.memory_space<vmem>>) target(%dma_start3A_30 : memref<128x128xf32, #tpu.memory_space<vmem_shared>>) target_semaphore(%run_scoped3A : memref<!tpu.dma_semaphore, #tpu.memory_space<semaphore_mem>>)
        %dma_wait3A = arith.constant 0 : i32
        %dma_wait3A_31 = tpu.memref_slice %arg9[%add3A_27, %dma_wait3A] : memref<10240x128xf32, #tpu.memory_space<vmem_shared>> -> memref<128x128xf32, #tpu.memory_space<vmem_shared>>
        %dma_wait3A_32 = arith.constant 0 : i32
        %dma_wait3A_33 = tpu.memref_slice %arg9[%add3A_27, %dma_wait3A_32] : memref<10240x128xf32, #tpu.memory_space<vmem_shared>> -> memref<128x128xf32, #tpu.memory_space<vmem_shared>>
        tpu.wait_dma2 semaphore(%run_scoped3A : memref<!tpu.dma_semaphore, #tpu.memory_space<semaphore_mem>>) src(%arg8 : memref<128x128xf32, #tpu.memory_space<vmem>>) dst(%dma_wait3A_33 : memref<128x128xf32, #tpu.memory_space<vmem_shared>>)
        tpu.yield
      }) : () -> ()
    }
    %scan3A_11 = arith.constant 5 : i32
    %barrier3A = arith.constant 0 : index
    tpu.barrier barrier_id(%barrier3A)
    %scan3A_12 = arith.constant 0 : i32
    %scan3A_13 = arith.constant 80 : i32
    %scan3A_14 = arith.addi %scan3A_12, %scan3A_13 : i32
    %scan3A_15 = arith.constant 1 : i32
    scf.for %scan3A_20 = %scan3A_12 to %scan3A_14 step %scan3A_15  : i32 {
      %mul3A_21 = arith.constant 1 : i32
      %mul3A_22 = arith.muli %scan3A_20, %mul3A_21 : i32
      %add3A_23 = arith.constant 0 : i32
      %add3A_24 = arith.addi %add3A_23, %mul3A_22 : i32
      %mul3A_25 = arith.constant 128 : i32
      %mul3A_26 = arith.muli %add3A_24, %mul3A_25 : i32
      "tpu.region"() ({
        %run_scoped3A = tpu.sem_alloc : memref<!tpu.dma_semaphore, #tpu.memory_space<semaphore_mem>>
        %dma_start3A = tpu.memref_slice %arg6[%mul3A_26] : memref<10240xi32, #tpu.memory_space<vmem>> -> memref<128xi32, #tpu.memory_space<vmem>>
        %dma_start3A_32 = arith.constant 0 : i32
        %dma_start3A_33 = arith.constant 0 : i32
        %dma_start3A_34 = tpu.memref_slice %arg2[%dma_start3A_32, %dma_start3A_33] : memref<10240x128xf32, #tpu.memory_space<hbm>> -> memref<10240x128xf32, #tpu.memory_space<hbm>>
        tpu.enqueue_indirect_dma source(%dma_start3A_34 : memref<10240x128xf32, #tpu.memory_space<hbm>>) target(%arg8 : memref<128x128xf32, #tpu.memory_space<vmem>>) offsets(%dma_start3A : memref<128xi32, #tpu.memory_space<vmem>>) semaphore(%run_scoped3A : memref<!tpu.dma_semaphore, #tpu.memory_space<semaphore_mem>>)
        %dma_wait3A = tpu.memref_slice %arg6[%mul3A_26] : memref<10240xi32, #tpu.memory_space<vmem>> -> memref<128xi32, #tpu.memory_space<vmem>>
        %dma_wait3A_35 = arith.constant 0 : i32
        %dma_wait3A_36 = arith.constant 0 : i32
        %dma_wait3A_37 = tpu.memref_slice %arg2[%dma_wait3A_35, %dma_wait3A_36] : memref<10240x128xf32, #tpu.memory_space<hbm>> -> memref<10240x128xf32, #tpu.memory_space<hbm>>
        tpu.wait_indirect_dma semaphore(%run_scoped3A : memref<!tpu.dma_semaphore, #tpu.memory_space<semaphore_mem>>) src(%dma_wait3A_37 : memref<10240x128xf32, #tpu.memory_space<hbm>>) dst(%arg8 : memref<128x128xf32, #tpu.memory_space<vmem>>)
        tpu.yield
      }) : () -> ()
      %mul3A_27 = arith.constant 10240 : i32
      %mul3A_28 = arith.muli %add3A, %mul3A_27 : i32
      %mul3A_29 = arith.constant 128 : i32
      %mul3A_30 = arith.muli %add3A_24, %mul3A_29 : i32
      %add3A_31 = arith.addi %mul3A_28, %mul3A_30 : i32
      "tpu.region"() ({
        %run_scoped3A = tpu.sem_alloc : memref<!tpu.dma_semaphore, #tpu.memory_space<semaphore_mem>>
        %dma_start3A = tpu.memref_slice %arg4[%add3A_31] : memref<327680xi32, #tpu.memory_space<hbm>> -> memref<128xi32, #tpu.memory_space<hbm>>
        %dma_start3A_32 = tpu.memref_slice %arg4[%add3A_31] : memref<327680xi32, #tpu.memory_space<hbm>> -> memref<128xi32, #tpu.memory_space<hbm>>
        tpu.enqueue_dma source(%dma_start3A_32 : memref<128xi32, #tpu.memory_space<hbm>>) target(%arg7 : memref<128xi32, #tpu.memory_space<vmem>>) target_semaphore(%run_scoped3A : memref<!tpu.dma_semaphore, #tpu.memory_space<semaphore_mem>>)
        %dma_wait3A = tpu.memref_slice %arg4[%add3A_31] : memref<327680xi32, #tpu.memory_space<hbm>> -> memref<128xi32, #tpu.memory_space<hbm>>
        %dma_wait3A_33 = tpu.memref_slice %arg4[%add3A_31] : memref<327680xi32, #tpu.memory_space<hbm>> -> memref<128xi32, #tpu.memory_space<hbm>>
        tpu.wait_dma2 semaphore(%run_scoped3A : memref<!tpu.dma_semaphore, #tpu.memory_space<semaphore_mem>>) src(%dma_wait3A_33 : memref<128xi32, #tpu.memory_space<hbm>>) dst(%arg7 : memref<128xi32, #tpu.memory_space<vmem>>)
        tpu.yield
      }) : () -> ()
      "tpu.region"() ({
        %run_scoped3A = tpu.sem_alloc : memref<!tpu.dma_semaphore, #tpu.memory_space<semaphore_mem>>
        %dma_start3A = arith.constant 0 : i32
        %dma_start3A_32 = arith.constant 0 : i32
        %dma_start3A_33 = tpu.memref_slice %arg9[%dma_start3A, %dma_start3A_32] : memref<10240x128xf32, #tpu.memory_space<vmem_shared>> -> memref<10240x128xf32, #tpu.memory_space<vmem_shared>>
        tpu.enqueue_indirect_dma source(%arg8 : memref<128x128xf32, #tpu.memory_space<vmem>>) target(%dma_start3A_33 : memref<10240x128xf32, #tpu.memory_space<vmem_shared>>) offsets(%arg7 : memref<128xi32, #tpu.memory_space<vmem>>) semaphore(%run_scoped3A : memref<!tpu.dma_semaphore, #tpu.memory_space<semaphore_mem>>) {add = true}
        %dma_wait3A = arith.constant 0 : i32
        %dma_wait3A_34 = arith.constant 0 : i32
        %dma_wait3A_35 = tpu.memref_slice %arg9[%dma_wait3A, %dma_wait3A_34] : memref<10240x128xf32, #tpu.memory_space<vmem_shared>> -> memref<10240x128xf32, #tpu.memory_space<vmem_shared>>
        tpu.wait_indirect_dma semaphore(%run_scoped3A : memref<!tpu.dma_semaphore, #tpu.memory_space<semaphore_mem>>) src(%arg8 : memref<128x128xf32, #tpu.memory_space<vmem>>) dst(%dma_wait3A_35 : memref<10240x128xf32, #tpu.memory_space<vmem_shared>>)
        tpu.yield
      }) : () -> ()
    }
    %scan3A_16 = arith.constant 80 : i32
    %barrier3A_17 = arith.constant 0 : index
    tpu.barrier barrier_id(%barrier3A_17)
    %mul3A_18 = arith.constant 640 : i32
    %mul3A_19 = arith.muli %arg1, %mul3A_18 : i32
    "tpu.region"() ({
      %run_scoped3A = tpu.sem_alloc : memref<!tpu.dma_semaphore, #tpu.memory_space<semaphore_mem>>
      %dma_start3A = arith.constant 0 : i32
      %dma_start3A_20 = arith.constant 0 : i32
      %dma_start3A_21 = tpu.memref_slice %arg5[%arg0, %dma_start3A, %dma_start3A_20] : memref<2x10240x128xf32, #tpu.memory_space<hbm>> -> memref<1x10240x128xf32, #tpu.memory_space<hbm>>
      %dma_start3A_22 = tpu.memref_squeeze %dma_start3A_21 : memref<1x10240x128xf32, #tpu.memory_space<hbm>> -> memref<10240x128xf32, #tpu.memory_space<hbm>>
      %dma_start3A_23 = arith.constant 0 : i32
      %dma_start3A_24 = tpu.memref_slice %dma_start3A_22[%mul3A_19, %dma_start3A_23] : memref<10240x128xf32, #tpu.memory_space<hbm>> -> memref<640x128xf32, #tpu.memory_space<hbm>>
      %dma_start3A_25 = arith.constant 0 : i32
      %dma_start3A_26 = tpu.memref_slice %arg9[%mul3A_19, %dma_start3A_25] : memref<10240x128xf32, #tpu.memory_space<vmem_shared>> -> memref<640x128xf32, #tpu.memory_space<vmem_shared>>
      tpu.enqueue_dma source(%dma_start3A_26 : memref<640x128xf32, #tpu.memory_space<vmem_shared>>) target(%dma_start3A_24 : memref<640x128xf32, #tpu.memory_space<hbm>>) target_semaphore(%run_scoped3A : memref<!tpu.dma_semaphore, #tpu.memory_space<semaphore_mem>>)
      %dma_wait3A = arith.constant 0 : i32
      %dma_wait3A_27 = arith.constant 0 : i32
      %dma_wait3A_28 = tpu.memref_slice %arg5[%arg0, %dma_wait3A, %dma_wait3A_27] : memref<2x10240x128xf32, #tpu.memory_space<hbm>> -> memref<1x10240x128xf32, #tpu.memory_space<hbm>>
      %dma_wait3A_29 = tpu.memref_squeeze %dma_wait3A_28 : memref<1x10240x128xf32, #tpu.memory_space<hbm>> -> memref<10240x128xf32, #tpu.memory_space<hbm>>
      %dma_wait3A_30 = arith.constant 0 : i32
      %dma_wait3A_31 = tpu.memref_slice %dma_wait3A_29[%mul3A_19, %dma_wait3A_30] : memref<10240x128xf32, #tpu.memory_space<hbm>> -> memref<640x128xf32, #tpu.memory_space<hbm>>
      %dma_wait3A_32 = arith.constant 0 : i32
      %dma_wait3A_33 = tpu.memref_slice %arg9[%mul3A_19, %dma_wait3A_32] : memref<10240x128xf32, #tpu.memory_space<vmem_shared>> -> memref<640x128xf32, #tpu.memory_space<vmem_shared>>
      tpu.wait_dma2 semaphore(%run_scoped3A : memref<!tpu.dma_semaphore, #tpu.memory_space<semaphore_mem>>) src(%dma_wait3A_33 : memref<640x128xf32, #tpu.memory_space<vmem_shared>>) dst(%dma_wait3A_31 : memref<640x128xf32, #tpu.memory_space<hbm>>)
      tpu.yield
    }) : () -> ()
    return
  }
}

#map = affine_map<(d0, d1) -> (0, 0)>
#map1 = affine_map<(d0, d1) -> (0)>
#map2 = affine_map<(d0, d1) -> (0, 0, 0)>
module attributes {stable_mosaic.version = 14 : i64} {
  func.func @_agg_body(%arg0: i32, %arg1: i32, %arg2: memref<10240x128xf32, #tpu.memory_space<hbm>>, %arg3: memref<327680xi32, #tpu.memory_space<hbm>>, %arg4: memref<327680xi32, #tpu.memory_space<hbm>>, %arg5: memref<2x10240x128xf32, #tpu.memory_space<hbm>>, %arg6: memref<10240xi32, #tpu.memory_space<vmem>>, %arg7: memref<128xi32, #tpu.memory_space<vmem>>, %arg8: memref<128x128xf32, #tpu.memory_space<vmem>>, %arg9: memref<10240x128xf32, #tpu.memory_space<vmem_shared>>) attributes {dimension_semantics = [#tpu.dimension_semantics<core_parallel>, #tpu.dimension_semantics<subcore_parallel>], iteration_bounds = array<i64: 2, 16>, scalar_prefetch = 0 : i64, scratch_operands = 4 : i64, tpu.core_type = #tpu.core_type<sc_vector_subcore>, window_params = [{transform_indices = #map}, {transform_indices = #map1}, {transform_indices = #map1}, {transform_indices = #map2}]} {
    %mul3A = arith.constant 16 : i32
    %mul3A_0 = arith.muli %arg0, %mul3A : i32
    %add3A = arith.addi %mul3A_0, %arg1 : i32
    %mul3A_1 = arith.constant 10240 : i32
    %mul3A_2 = arith.muli %add3A, %mul3A_1 : i32
    "tpu.region"() ({
      %run_scoped3A = tpu.sem_alloc : memref<!tpu.dma_semaphore, #tpu.memory_space<semaphore_mem>>
      %dma_start3A = tpu.memref_slice %arg3[%mul3A_2] : memref<327680xi32, #tpu.memory_space<hbm>> -> memref<10240xi32, #tpu.memory_space<hbm>>
      %dma_start3A_20 = tpu.memref_slice %arg3[%mul3A_2] : memref<327680xi32, #tpu.memory_space<hbm>> -> memref<10240xi32, #tpu.memory_space<hbm>>
      tpu.enqueue_dma source(%dma_start3A_20 : memref<10240xi32, #tpu.memory_space<hbm>>) target(%arg6 : memref<10240xi32, #tpu.memory_space<vmem>>) target_semaphore(%run_scoped3A : memref<!tpu.dma_semaphore, #tpu.memory_space<semaphore_mem>>)
      %dma_wait3A = tpu.memref_slice %arg3[%mul3A_2] : memref<327680xi32, #tpu.memory_space<hbm>> -> memref<10240xi32, #tpu.memory_space<hbm>>
      %dma_wait3A_21 = tpu.memref_slice %arg3[%mul3A_2] : memref<327680xi32, #tpu.memory_space<hbm>> -> memref<10240xi32, #tpu.memory_space<hbm>>
      tpu.wait_dma2 semaphore(%run_scoped3A : memref<!tpu.dma_semaphore, #tpu.memory_space<semaphore_mem>>) src(%dma_wait3A_21 : memref<10240xi32, #tpu.memory_space<hbm>>) dst(%arg6 : memref<10240xi32, #tpu.memory_space<vmem>>)
      tpu.yield
    }) : () -> ()
    %scan3A = arith.constant 0 : i32
    %scan3A_3 = arith.constant 128 : i32
    %scan3A_4 = arith.addi %scan3A, %scan3A_3 : i32
    %scan3A_5 = arith.constant 1 : i32
    scf.for %scan3A_20 = %scan3A to %scan3A_4 step %scan3A_5  : i32 {
      %mul3A_21 = arith.constant 1 : i32
      %mul3A_22 = arith.muli %scan3A_20, %mul3A_21 : i32
      %add3A_23 = arith.constant 0 : i32
      %add3A_24 = arith.addi %add3A_23, %mul3A_22 : i32
      %scan3A_25 = arith.constant 0 : i32
      %scan3A_26 = arith.constant 8 : i32
      %scan3A_27 = arith.addi %scan3A_25, %scan3A_26 : i32
      %scan3A_28 = arith.constant 1 : i32
      scf.for %scan3A_30 = %scan3A_25 to %scan3A_27 step %scan3A_28  : i32 {
        %mul3A_31 = arith.constant 16 : i32
        %mul3A_32 = arith.muli %scan3A_30, %mul3A_31 : i32
        %add3A_33 = arith.constant 0 : i32
        %add3A_34 = arith.addi %add3A_33, %mul3A_32 : i32
        %broadcast_in_dim3A = arith.constant 0.000000e+00 : f32
        %broadcast_in_dim3A_35 = vector.broadcast %broadcast_in_dim3A : f32 to vector<16xf32>
        %swap3A = arith.index_cast %add3A_24 : i32 to index
        %swap3A_36 = arith.index_cast %add3A_34 : i32 to index
        %swap3A_37 = tpu.vector_load %arg8[%swap3A, %swap3A_36] {strides = array<i32>} : memref<128x128xf32, #tpu.memory_space<vmem>>, vector<1x16xf32>,
        %swap3A_38 = vector.shape_cast %swap3A_37 : vector<1x16xf32> to vector<16xf32>
        %swap3A_39 = vector.shape_cast %broadcast_in_dim3A_35 : vector<16xf32> to vector<1x16xf32>
        tpu.vector_store %arg8[%swap3A, %swap3A_36], %swap3A_39 {strides = array<i32>} : memref<128x128xf32, #tpu.memory_space<vmem>>, vector<1x16xf32>,
      }
      %scan3A_29 = arith.constant 8 : i32
    }
    %scan3A_6 = arith.constant 128 : i32
    %scan3A_7 = arith.constant 0 : i32
    %scan3A_8 = arith.constant 5 : i32
    %scan3A_9 = arith.addi %scan3A_7, %scan3A_8 : i32
    %scan3A_10 = arith.constant 1 : i32
    scf.for %scan3A_20 = %scan3A_7 to %scan3A_9 step %scan3A_10  : i32 {
      %mul3A_21 = arith.constant 128 : i32
      %mul3A_22 = arith.muli %scan3A_20, %mul3A_21 : i32
      %add3A_23 = arith.constant 0 : i32
      %add3A_24 = arith.addi %add3A_23, %mul3A_22 : i32
      %mul3A_25 = arith.constant 640 : i32
      %mul3A_26 = arith.muli %arg1, %mul3A_25 : i32
      %add3A_27 = arith.addi %mul3A_26, %add3A_24 : i32
      "tpu.region"() ({
        %run_scoped3A = tpu.sem_alloc : memref<!tpu.dma_semaphore, #tpu.memory_space<semaphore_mem>>
        %dma_start3A = arith.constant 0 : i32
        %dma_start3A_28 = tpu.memref_slice %arg9[%add3A_27, %dma_start3A] : memref<10240x128xf32, #tpu.memory_space<vmem_shared>> -> memref<128x128xf32, #tpu.memory_space<vmem_shared>>
        %dma_start3A_29 = arith.constant 0 : i32
        %dma_start3A_30 = tpu.memref_slice %arg9[%add3A_27, %dma_start3A_29] : memref<10240x128xf32, #tpu.memory_space<vmem_shared>> -> memref<128x128xf32, #tpu.memory_space<vmem_shared>>
        tpu.enqueue_dma source(%arg8 : memref<128x128xf32, #tpu.memory_space<vmem>>) target(%dma_start3A_30 : memref<128x128xf32, #tpu.memory_space<vmem_shared>>) target_semaphore(%run_scoped3A : memref<!tpu.dma_semaphore, #tpu.memory_space<semaphore_mem>>)
        %dma_wait3A = arith.constant 0 : i32
        %dma_wait3A_31 = tpu.memref_slice %arg9[%add3A_27, %dma_wait3A] : memref<10240x128xf32, #tpu.memory_space<vmem_shared>> -> memref<128x128xf32, #tpu.memory_space<vmem_shared>>
        %dma_wait3A_32 = arith.constant 0 : i32
        %dma_wait3A_33 = tpu.memref_slice %arg9[%add3A_27, %dma_wait3A_32] : memref<10240x128xf32, #tpu.memory_space<vmem_shared>> -> memref<128x128xf32, #tpu.memory_space<vmem_shared>>
        tpu.wait_dma2 semaphore(%run_scoped3A : memref<!tpu.dma_semaphore, #tpu.memory_space<semaphore_mem>>) src(%arg8 : memref<128x128xf32, #tpu.memory_space<vmem>>) dst(%dma_wait3A_33 : memref<128x128xf32, #tpu.memory_space<vmem_shared>>)
        tpu.yield
      }) : () -> ()
    }
    %scan3A_11 = arith.constant 5 : i32
    %barrier3A = arith.constant 0 : index
    tpu.barrier barrier_id(%barrier3A)
    %scan3A_12 = arith.constant 0 : i32
    %scan3A_13 = arith.constant 80 : i32
    %scan3A_14 = arith.addi %scan3A_12, %scan3A_13 : i32
    %scan3A_15 = arith.constant 1 : i32
    scf.for %scan3A_20 = %scan3A_12 to %scan3A_14 step %scan3A_15  : i32 {
      %mul3A_21 = arith.constant 1 : i32
      %mul3A_22 = arith.muli %scan3A_20, %mul3A_21 : i32
      %add3A_23 = arith.constant 0 : i32
      %add3A_24 = arith.addi %add3A_23, %mul3A_22 : i32
      %mul3A_25 = arith.constant 128 : i32
      %mul3A_26 = arith.muli %add3A_24, %mul3A_25 : i32
      "tpu.region"() ({
        %run_scoped3A = tpu.sem_alloc : memref<!tpu.dma_semaphore, #tpu.memory_space<semaphore_mem>>
        %dma_start3A = tpu.memref_slice %arg6[%mul3A_26] : memref<10240xi32, #tpu.memory_space<vmem>> -> memref<128xi32, #tpu.memory_space<vmem>>
        %dma_start3A_32 = arith.constant 0 : i32
        %dma_start3A_33 = arith.constant 0 : i32
        %dma_start3A_34 = tpu.memref_slice %arg2[%dma_start3A_32, %dma_start3A_33] : memref<10240x128xf32, #tpu.memory_space<hbm>> -> memref<10240x128xf32, #tpu.memory_space<hbm>>
        tpu.enqueue_indirect_dma source(%dma_start3A_34 : memref<10240x128xf32, #tpu.memory_space<hbm>>) target(%arg8 : memref<128x128xf32, #tpu.memory_space<vmem>>) offsets(%dma_start3A : memref<128xi32, #tpu.memory_space<vmem>>) semaphore(%run_scoped3A : memref<!tpu.dma_semaphore, #tpu.memory_space<semaphore_mem>>)
        %dma_wait3A = tpu.memref_slice %arg6[%mul3A_26] : memref<10240xi32, #tpu.memory_space<vmem>> -> memref<128xi32, #tpu.memory_space<vmem>>
        %dma_wait3A_35 = arith.constant 0 : i32
        %dma_wait3A_36 = arith.constant 0 : i32
        %dma_wait3A_37 = tpu.memref_slice %arg2[%dma_wait3A_35, %dma_wait3A_36] : memref<10240x128xf32, #tpu.memory_space<hbm>> -> memref<10240x128xf32, #tpu.memory_space<hbm>>
        tpu.wait_indirect_dma semaphore(%run_scoped3A : memref<!tpu.dma_semaphore, #tpu.memory_space<semaphore_mem>>) src(%dma_wait3A_37 : memref<10240x128xf32, #tpu.memory_space<hbm>>) dst(%arg8 : memref<128x128xf32, #tpu.memory_space<vmem>>)
        tpu.yield
      }) : () -> ()
      %mul3A_27 = arith.constant 10240 : i32
      %mul3A_28 = arith.muli %add3A, %mul3A_27 : i32
      %mul3A_29 = arith.constant 128 : i32
      %mul3A_30 = arith.muli %add3A_24, %mul3A_29 : i32
      %add3A_31 = arith.addi %mul3A_28, %mul3A_30 : i32
      "tpu.region"() ({
        %run_scoped3A = tpu.sem_alloc : memref<!tpu.dma_semaphore, #tpu.memory_space<semaphore_mem>>
        %dma_start3A = tpu.memref_slice %arg4[%add3A_31] : memref<327680xi32, #tpu.memory_space<hbm>> -> memref<128xi32, #tpu.memory_space<hbm>>
        %dma_start3A_32 = tpu.memref_slice %arg4[%add3A_31] : memref<327680xi32, #tpu.memory_space<hbm>> -> memref<128xi32, #tpu.memory_space<hbm>>
        tpu.enqueue_dma source(%dma_start3A_32 : memref<128xi32, #tpu.memory_space<hbm>>) target(%arg7 : memref<128xi32, #tpu.memory_space<vmem>>) target_semaphore(%run_scoped3A : memref<!tpu.dma_semaphore, #tpu.memory_space<semaphore_mem>>)
        %dma_wait3A = tpu.memref_slice %arg4[%add3A_31] : memref<327680xi32, #tpu.memory_space<hbm>> -> memref<128xi32, #tpu.memory_space<hbm>>
        %dma_wait3A_33 = tpu.memref_slice %arg4[%add3A_31] : memref<327680xi32, #tpu.memory_space<hbm>> -> memref<128xi32, #tpu.memory_space<hbm>>
        tpu.wait_dma2 semaphore(%run_scoped3A : memref<!tpu.dma_semaphore, #tpu.memory_space<semaphore_mem>>) src(%dma_wait3A_33 : memref<128xi32, #tpu.memory_space<hbm>>) dst(%arg7 : memref<128xi32, #tpu.memory_space<vmem>>)
        tpu.yield
      }) : () -> ()
      "tpu.region"() ({
        %run_scoped3A = tpu.sem_alloc : memref<!tpu.dma_semaphore, #tpu.memory_space<semaphore_mem>>
        %dma_start3A = arith.constant 0 : i32
        %dma_start3A_32 = arith.constant 0 : i32
        %dma_start3A_33 = tpu.memref_slice %arg9[%dma_start3A, %dma_start3A_32] : memref<10240x128xf32, #tpu.memory_space<vmem_shared>> -> memref<10240x128xf32, #tpu.memory_space<vmem_shared>>
        tpu.enqueue_indirect_dma source(%arg8 : memref<128x128xf32, #tpu.memory_space<vmem>>) target(%dma_start3A_33 : memref<10240x128xf32, #tpu.memory_space<vmem_shared>>) offsets(%arg7 : memref<128xi32, #tpu.memory_space<vmem>>) semaphore(%run_scoped3A : memref<!tpu.dma_semaphore, #tpu.memory_space<semaphore_mem>>) {add = true}
        %dma_wait3A = arith.constant 0 : i32
        %dma_wait3A_34 = arith.constant 0 : i32
        %dma_wait3A_35 = tpu.memref_slice %arg9[%dma_wait3A, %dma_wait3A_34] : memref<10240x128xf32, #tpu.memory_space<vmem_shared>> -> memref<10240x128xf32, #tpu.memory_space<vmem_shared>>
        tpu.wait_indirect_dma semaphore(%run_scoped3A : memref<!tpu.dma_semaphore, #tpu.memory_space<semaphore_mem>>) src(%arg8 : memref<128x128xf32, #tpu.memory_space<vmem>>) dst(%dma_wait3A_35 : memref<10240x128xf32, #tpu.memory_space<vmem_shared>>)
        tpu.yield
      }) : () -> ()
    }
    %scan3A_16 = arith.constant 80 : i32
    %barrier3A_17 = arith.constant 0 : index
    tpu.barrier barrier_id(%barrier3A_17)
    %mul3A_18 = arith.constant 640 : i32
    %mul3A_19 = arith.muli %arg1, %mul3A_18 : i32
    "tpu.region"() ({
      %run_scoped3A = tpu.sem_alloc : memref<!tpu.dma_semaphore, #tpu.memory_space<semaphore_mem>>
      %dma_start3A = arith.constant 0 : i32
      %dma_start3A_20 = arith.constant 0 : i32
      %dma_start3A_21 = tpu.memref_slice %arg5[%arg0, %dma_start3A, %dma_start3A_20] : memref<2x10240x128xf32, #tpu.memory_space<hbm>> -> memref<1x10240x128xf32, #tpu.memory_space<hbm>>
      %dma_start3A_22 = tpu.memref_squeeze %dma_start3A_21 : memref<1x10240x128xf32, #tpu.memory_space<hbm>> -> memref<10240x128xf32, #tpu.memory_space<hbm>>
      %dma_start3A_23 = arith.constant 0 : i32
      %dma_start3A_24 = tpu.memref_slice %dma_start3A_22[%mul3A_19, %dma_start3A_23] : memref<10240x128xf32, #tpu.memory_space<hbm>> -> memref<640x128xf32, #tpu.memory_space<hbm>>
      %dma_start3A_25 = arith.constant 0 : i32
      %dma_start3A_26 = tpu.memref_slice %arg9[%mul3A_19, %dma_start3A_25] : memref<10240x128xf32, #tpu.memory_space<vmem_shared>> -> memref<640x128xf32, #tpu.memory_space<vmem_shared>>
      tpu.enqueue_dma source(%dma_start3A_26 : memref<640x128xf32, #tpu.memory_space<vmem_shared>>) target(%dma_start3A_24 : memref<640x128xf32, #tpu.memory_space<hbm>>) target_semaphore(%run_scoped3A : memref<!tpu.dma_semaphore, #tpu.memory_space<semaphore_mem>>)
      %dma_wait3A = arith.constant 0 : i32
      %dma_wait3A_27 = arith.constant 0 : i32
      %dma_wait3A_28 = tpu.memref_slice %arg5[%arg0, %dma_wait3A, %dma_wait3A_27] : memref<2x10240x128xf32, #tpu.memory_space<hbm>> -> memref<1x10240x128xf32, #tpu.memory_space<hbm>>
      %dma_wait3A_29 = tpu.memref_squeeze %dma_wait3A_28 : memref<1x10240x128xf32, #tpu.memory_space<hbm>> -> memref<10240x128xf32, #tpu.memory_space<hbm>>
      %dma_wait3A_30 = arith.constant 0 : i32
      %dma_wait3A_31 = tpu.memref_slice %dma_wait3A_29[%mul3A_19, %dma_wait3A_30] : memref<10240x128xf32, #tpu.memory_space<hbm>> -> memref<640x128xf32, #tpu.memory_space<hbm>>
      %dma_wait3A_32 = arith.constant 0 : i32
      %dma_wait3A_33 = tpu.memref_slice %arg9[%mul3A_19, %dma_wait3A_32] : memref<10240x128xf32, #tpu.memory_space<vmem_shared>> -> memref<640x128xf32, #tpu.memory_space<vmem_shared>>
      tpu.wait_dma2 semaphore(%run_scoped3A : memref<!tpu.dma_semaphore, #tpu.memory_space<semaphore_mem>>) src(%dma_wait3A_33 : memref<640x128xf32, #tpu.memory_space<vmem_shared>>) dst(%dma_wait3A_31 : memref<640x128xf32, #tpu.memory_space<hbm>>)
      tpu.yield
    }) : () -> ()
    return
  }
}

#map = affine_map<(d0, d1) -> (0)>
#map1 = affine_map<(d0, d1) -> (0, 0)>
module attributes {stable_mosaic.version = 14 : i64} {
  func.func @_degrees_body(%arg0: i32, %arg1: i32, %arg2: memref<327680xi32, #tpu.memory_space<hbm>>, %arg3: memref<327680xi32, #tpu.memory_space<hbm>>, %arg4: memref<32x10240xf32, #tpu.memory_space<hbm>>, %arg5: memref<32x10240xf32, #tpu.memory_space<hbm>>, %arg6: memref<128xi32, #tpu.memory_space<vmem>>, %arg7: memref<10240xf32, #tpu.memory_space<vmem>>, %arg8: memref<10240xf32, #tpu.memory_space<vmem>>) attributes {dimension_semantics = [#tpu.dimension_semantics<core_parallel>, #tpu.dimension_semantics<subcore_parallel>], iteration_bounds = array<i64: 2, 16>, scalar_prefetch = 0 : i64, scratch_operands = 3 : i64, tpu.core_type = #tpu.core_type<sc_vector_subcore>, window_params = [{transform_indices = #map}, {transform_indices = #map}, {transform_indices = #map1}, {transform_indices = #map1}]} {
    %mul3A = arith.constant 16 : i32
    %mul3A_0 = arith.muli %arg0, %mul3A : i32
    %add3A = arith.addi %mul3A_0, %arg1 : i32
    %scan3A = arith.constant 0 : i32
    %scan3A_1 = arith.constant 640 : i32
    %scan3A_2 = arith.addi %scan3A, %scan3A_1 : i32
    %scan3A_3 = arith.constant 1 : i32
    scf.for %scan3A_11 = %scan3A to %scan3A_2 step %scan3A_3  : i32 {
      %mul3A_12 = arith.constant 16 : i32
      %mul3A_13 = arith.muli %scan3A_11, %mul3A_12 : i32
      %add3A_14 = arith.constant 0 : i32
      %add3A_15 = arith.addi %add3A_14, %mul3A_13 : i32
      %broadcast_in_dim3A_16 = arith.constant 0.000000e+00 : f32
      %broadcast_in_dim3A_17 = vector.broadcast %broadcast_in_dim3A_16 : f32 to vector<16xf32>
      %swap3A = arith.index_cast %add3A_15 : i32 to index
      %swap3A_18 = tpu.vector_load %arg7[%swap3A] {strides = array<i32>} : memref<10240xf32, #tpu.memory_space<vmem>>, vector<16xf32>,
      tpu.vector_store %arg7[%swap3A], %broadcast_in_dim3A_17 {strides = array<i32>} : memref<10240xf32, #tpu.memory_space<vmem>>, vector<16xf32>,
      %swap3A_19 = arith.index_cast %add3A_15 : i32 to index
      %swap3A_20 = tpu.vector_load %arg8[%swap3A_19] {strides = array<i32>} : memref<10240xf32, #tpu.memory_space<vmem>>, vector<16xf32>,
      tpu.vector_store %arg8[%swap3A_19], %broadcast_in_dim3A_17 {strides = array<i32>} : memref<10240xf32, #tpu.memory_space<vmem>>, vector<16xf32>,
    }
    %scan3A_4 = arith.constant 640 : i32
    %broadcast_in_dim3A = arith.constant 1.000000e+00 : f32
    %broadcast_in_dim3A_5 = vector.broadcast %broadcast_in_dim3A : f32 to vector<16xf32>
    %scan3A_6 = arith.constant 0 : i32
    %scan3A_7 = arith.constant 80 : i32
    %scan3A_8 = arith.addi %scan3A_6, %scan3A_7 : i32
    %scan3A_9 = arith.constant 1 : i32
    scf.for %scan3A_11 = %scan3A_6 to %scan3A_8 step %scan3A_9  : i32 {
      %mul3A_12 = arith.constant 1 : i32
      %mul3A_13 = arith.muli %scan3A_11, %mul3A_12 : i32
      %add3A_14 = arith.constant 0 : i32
      %add3A_15 = arith.addi %add3A_14, %mul3A_13 : i32
      %mul3A_16 = arith.constant 10240 : i32
      %mul3A_17 = arith.muli %add3A, %mul3A_16 : i32
      %mul3A_18 = arith.constant 128 : i32
      %mul3A_19 = arith.muli %add3A_15, %mul3A_18 : i32
      %add3A_20 = arith.addi %mul3A_17, %mul3A_19 : i32
      "tpu.region"() ({
        %run_scoped3A = tpu.sem_alloc : memref<!tpu.dma_semaphore, #tpu.memory_space<semaphore_mem>>
        %dma_start3A = tpu.memref_slice %arg2[%add3A_20] : memref<327680xi32, #tpu.memory_space<hbm>> -> memref<128xi32, #tpu.memory_space<hbm>>
        %dma_start3A_31 = tpu.memref_slice %arg2[%add3A_20] : memref<327680xi32, #tpu.memory_space<hbm>> -> memref<128xi32, #tpu.memory_space<hbm>>
        tpu.enqueue_dma source(%dma_start3A_31 : memref<128xi32, #tpu.memory_space<hbm>>) target(%arg6 : memref<128xi32, #tpu.memory_space<vmem>>) target_semaphore(%run_scoped3A : memref<!tpu.dma_semaphore, #tpu.memory_space<semaphore_mem>>)
        %dma_wait3A = tpu.memref_slice %arg2[%add3A_20] : memref<327680xi32, #tpu.memory_space<hbm>> -> memref<128xi32, #tpu.memory_space<hbm>>
        %dma_wait3A_32 = tpu.memref_slice %arg2[%add3A_20] : memref<327680xi32, #tpu.memory_space<hbm>> -> memref<128xi32, #tpu.memory_space<hbm>>
        tpu.wait_dma2 semaphore(%run_scoped3A : memref<!tpu.dma_semaphore, #tpu.memory_space<semaphore_mem>>) src(%dma_wait3A_32 : memref<128xi32, #tpu.memory_space<hbm>>) dst(%arg6 : memref<128xi32, #tpu.memory_space<vmem>>)
        tpu.yield
      }) : () -> ()
      %scan3A_21 = arith.constant 0 : i32
      %scan3A_22 = arith.constant 8 : i32
      %scan3A_23 = arith.addi %scan3A_21, %scan3A_22 : i32
      %scan3A_24 = arith.constant 1 : i32
      scf.for %scan3A_31 = %scan3A_21 to %scan3A_23 step %scan3A_24  : i32 {
        %mul3A_32 = arith.constant 16 : i32
        %mul3A_33 = arith.muli %scan3A_31, %mul3A_32 : i32
        %add3A_34 = arith.constant 0 : i32
        %add3A_35 = arith.addi %add3A_34, %mul3A_33 : i32
        %get3A = arith.index_cast %add3A_35 : i32 to index
        %get3A_36 = tpu.vector_load %arg6[%get3A] {strides = array<i32>} : memref<128xi32, #tpu.memory_space<vmem>>, vector<16xi32>,
        tpu.vector_store_idx %arg7[%get3A_36], %broadcast_in_dim3A_5 {add = true} : memref<10240xf32, #tpu.memory_space<vmem>>[vector<16xi32>], vector<16xf32>,
      }
      %scan3A_25 = arith.constant 8 : i32
      "tpu.region"() ({
        %run_scoped3A = tpu.sem_alloc : memref<!tpu.dma_semaphore, #tpu.memory_space<semaphore_mem>>
        %dma_start3A = tpu.memref_slice %arg3[%add3A_20] : memref<327680xi32, #tpu.memory_space<hbm>> -> memref<128xi32, #tpu.memory_space<hbm>>
        %dma_start3A_31 = tpu.memref_slice %arg3[%add3A_20] : memref<327680xi32, #tpu.memory_space<hbm>> -> memref<128xi32, #tpu.memory_space<hbm>>
        tpu.enqueue_dma source(%dma_start3A_31 : memref<128xi32, #tpu.memory_space<hbm>>) target(%arg6 : memref<128xi32, #tpu.memory_space<vmem>>) target_semaphore(%run_scoped3A : memref<!tpu.dma_semaphore, #tpu.memory_space<semaphore_mem>>)
        %dma_wait3A = tpu.memref_slice %arg3[%add3A_20] : memref<327680xi32, #tpu.memory_space<hbm>> -> memref<128xi32, #tpu.memory_space<hbm>>
        %dma_wait3A_32 = tpu.memref_slice %arg3[%add3A_20] : memref<327680xi32, #tpu.memory_space<hbm>> -> memref<128xi32, #tpu.memory_space<hbm>>
        tpu.wait_dma2 semaphore(%run_scoped3A : memref<!tpu.dma_semaphore, #tpu.memory_space<semaphore_mem>>) src(%dma_wait3A_32 : memref<128xi32, #tpu.memory_space<hbm>>) dst(%arg6 : memref<128xi32, #tpu.memory_space<vmem>>)
        tpu.yield
      }) : () -> ()
      %scan3A_26 = arith.constant 0 : i32
      %scan3A_27 = arith.constant 8 : i32
      %scan3A_28 = arith.addi %scan3A_26, %scan3A_27 : i32
      %scan3A_29 = arith.constant 1 : i32
      scf.for %scan3A_31 = %scan3A_26 to %scan3A_28 step %scan3A_29  : i32 {
        %mul3A_32 = arith.constant 16 : i32
        %mul3A_33 = arith.muli %scan3A_31, %mul3A_32 : i32
        %add3A_34 = arith.constant 0 : i32
        %add3A_35 = arith.addi %add3A_34, %mul3A_33 : i32
        %get3A = arith.index_cast %add3A_35 : i32 to index
        %get3A_36 = tpu.vector_load %arg6[%get3A] {strides = array<i32>} : memref<128xi32, #tpu.memory_space<vmem>>, vector<16xi32>,
        tpu.vector_store_idx %arg8[%get3A_36], %broadcast_in_dim3A_5 {add = true} : memref<10240xf32, #tpu.memory_space<vmem>>[vector<16xi32>], vector<16xf32>,
      }
      %scan3A_30 = arith.constant 8 : i32
    }
    %scan3A_10 = arith.constant 80 : i32
    "tpu.region"() ({
      %run_scoped3A = tpu.sem_alloc : memref<!tpu.dma_semaphore, #tpu.memory_space<semaphore_mem>>
      %dma_start3A = arith.constant 0 : i32
      %dma_start3A_11 = tpu.memref_slice %arg4[%add3A, %dma_start3A] : memref<32x10240xf32, #tpu.memory_space<hbm>> -> memref<1x10240xf32, #tpu.memory_space<hbm>>
      %dma_start3A_12 = tpu.memref_squeeze %dma_start3A_11 : memref<1x10240xf32, #tpu.memory_space<hbm>> -> memref<10240xf32, #tpu.memory_space<hbm>>
      %dma_start3A_13 = arith.constant 0 : i32
      %dma_start3A_14 = tpu.memref_slice %arg4[%add3A, %dma_start3A_13] : memref<32x10240xf32, #tpu.memory_space<hbm>> -> memref<1x10240xf32, #tpu.memory_space<hbm>>
      %dma_start3A_15 = tpu.memref_squeeze %dma_start3A_14 : memref<1x10240xf32, #tpu.memory_space<hbm>> -> memref<10240xf32, #tpu.memory_space<hbm>>
      tpu.enqueue_dma source(%arg7 : memref<10240xf32, #tpu.memory_space<vmem>>) target(%dma_start3A_15 : memref<10240xf32, #tpu.memory_space<hbm>>) target_semaphore(%run_scoped3A : memref<!tpu.dma_semaphore, #tpu.memory_space<semaphore_mem>>)
      %dma_wait3A = arith.constant 0 : i32
      %dma_wait3A_16 = tpu.memref_slice %arg4[%add3A, %dma_wait3A] : memref<32x10240xf32, #tpu.memory_space<hbm>> -> memref<1x10240xf32, #tpu.memory_space<hbm>>
      %dma_wait3A_17 = tpu.memref_squeeze %dma_wait3A_16 : memref<1x10240xf32, #tpu.memory_space<hbm>> -> memref<10240xf32, #tpu.memory_space<hbm>>
      %dma_wait3A_18 = arith.constant 0 : i32
      %dma_wait3A_19 = tpu.memref_slice %arg4[%add3A, %dma_wait3A_18] : memref<32x10240xf32, #tpu.memory_space<hbm>> -> memref<1x10240xf32, #tpu.memory_space<hbm>>
      %dma_wait3A_20 = tpu.memref_squeeze %dma_wait3A_19 : memref<1x10240xf32, #tpu.memory_space<hbm>> -> memref<10240xf32, #tpu.memory_space<hbm>>
      tpu.wait_dma2 semaphore(%run_scoped3A : memref<!tpu.dma_semaphore, #tpu.memory_space<semaphore_mem>>) src(%arg7 : memref<10240xf32, #tpu.memory_space<vmem>>) dst(%dma_wait3A_20 : memref<10240xf32, #tpu.memory_space<hbm>>)
      tpu.yield
    }) : () -> ()
    "tpu.region"() ({
      %run_scoped3A = tpu.sem_alloc : memref<!tpu.dma_semaphore, #tpu.memory_space<semaphore_mem>>
      %dma_start3A = arith.constant 0 : i32
      %dma_start3A_11 = tpu.memref_slice %arg5[%add3A, %dma_start3A] : memref<32x10240xf32, #tpu.memory_space<hbm>> -> memref<1x10240xf32, #tpu.memory_space<hbm>>
      %dma_start3A_12 = tpu.memref_squeeze %dma_start3A_11 : memref<1x10240xf32, #tpu.memory_space<hbm>> -> memref<10240xf32, #tpu.memory_space<hbm>>
      %dma_start3A_13 = arith.constant 0 : i32
      %dma_start3A_14 = tpu.memref_slice %arg5[%add3A, %dma_start3A_13] : memref<32x10240xf32, #tpu.memory_space<hbm>> -> memref<1x10240xf32, #tpu.memory_space<hbm>>
      %dma_start3A_15 = tpu.memref_squeeze %dma_start3A_14 : memref<1x10240xf32, #tpu.memory_space<hbm>> -> memref<10240xf32, #tpu.memory_space<hbm>>
      tpu.enqueue_dma source(%arg8 : memref<10240xf32, #tpu.memory_space<vmem>>) target(%dma_start3A_15 : memref<10240xf32, #tpu.memory_space<hbm>>) target_semaphore(%run_scoped3A : memref<!tpu.dma_semaphore, #tpu.memory_space<semaphore_mem>>)
      %dma_wait3A = arith.constant 0 : i32
      %dma_wait3A_16 = tpu.memref_slice %arg5[%add3A, %dma_wait3A] : memref<32x10240xf32, #tpu.memory_space<hbm>> -> memref<1x10240xf32, #tpu.memory_space<hbm>>
      %dma_wait3A_17 = tpu.memref_squeeze %dma_wait3A_16 : memref<1x10240xf32, #tpu.memory_space<hbm>> -> memref<10240xf32, #tpu.memory_space<hbm>>
      %dma_wait3A_18 = arith.constant 0 : i32
      %dma_wait3A_19 = tpu.memref_slice %arg5[%add3A, %dma_wait3A_18] : memref<32x10240xf32, #tpu.memory_space<hbm>> -> memref<1x10240xf32, #tpu.memory_space<hbm>>
      %dma_wait3A_20 = tpu.memref_squeeze %dma_wait3A_19 : memref<1x10240xf32, #tpu.memory_space<hbm>> -> memref<10240xf32, #tpu.memory_space<hbm>>
      tpu.wait_dma2 semaphore(%run_scoped3A : memref<!tpu.dma_semaphore, #tpu.memory_space<semaphore_mem>>) src(%arg8 : memref<10240xf32, #tpu.memory_space<vmem>>) dst(%dma_wait3A_20 : memref<10240xf32, #tpu.memory_space<hbm>>)
      tpu.yield
    }) : () -> ()
    return
  }
}

#map = affine_map<(d0, d1) -> (0, 0)>
#map1 = affine_map<(d0, d1) -> (0)>
#map2 = affine_map<(d0, d1) -> (0, 0, 0)>
module attributes {stable_mosaic.version = 14 : i64} {
  func.func @_agg_body(%arg0: i32, %arg1: i32, %arg2: memref<10240x128xf32, #tpu.memory_space<hbm>>, %arg3: memref<327680xi32, #tpu.memory_space<hbm>>, %arg4: memref<327680xi32, #tpu.memory_space<hbm>>, %arg5: memref<2x10240x128xf32, #tpu.memory_space<hbm>>, %arg6: memref<10240xi32, #tpu.memory_space<vmem>>, %arg7: memref<128xi32, #tpu.memory_space<vmem>>, %arg8: memref<128x128xf32, #tpu.memory_space<vmem>>, %arg9: memref<10240x128xf32, #tpu.memory_space<vmem_shared>>) attributes {dimension_semantics = [#tpu.dimension_semantics<core_parallel>, #tpu.dimension_semantics<subcore_parallel>], iteration_bounds = array<i64: 2, 16>, scalar_prefetch = 0 : i64, scratch_operands = 4 : i64, tpu.core_type = #tpu.core_type<sc_vector_subcore>, window_params = [{transform_indices = #map}, {transform_indices = #map1}, {transform_indices = #map1}, {transform_indices = #map2}]} {
    %mul3A = arith.constant 16 : i32
    %mul3A_0 = arith.muli %arg0, %mul3A : i32
    %add3A = arith.addi %mul3A_0, %arg1 : i32
    %mul3A_1 = arith.constant 10240 : i32
    %mul3A_2 = arith.muli %add3A, %mul3A_1 : i32
    "tpu.region"() ({
      %run_scoped3A = tpu.sem_alloc : memref<!tpu.dma_semaphore, #tpu.memory_space<semaphore_mem>>
      %dma_start3A = tpu.memref_slice %arg3[%mul3A_2] : memref<327680xi32, #tpu.memory_space<hbm>> -> memref<10240xi32, #tpu.memory_space<hbm>>
      %dma_start3A_20 = tpu.memref_slice %arg3[%mul3A_2] : memref<327680xi32, #tpu.memory_space<hbm>> -> memref<10240xi32, #tpu.memory_space<hbm>>
      tpu.enqueue_dma source(%dma_start3A_20 : memref<10240xi32, #tpu.memory_space<hbm>>) target(%arg6 : memref<10240xi32, #tpu.memory_space<vmem>>) target_semaphore(%run_scoped3A : memref<!tpu.dma_semaphore, #tpu.memory_space<semaphore_mem>>)
      %dma_wait3A = tpu.memref_slice %arg3[%mul3A_2] : memref<327680xi32, #tpu.memory_space<hbm>> -> memref<10240xi32, #tpu.memory_space<hbm>>
      %dma_wait3A_21 = tpu.memref_slice %arg3[%mul3A_2] : memref<327680xi32, #tpu.memory_space<hbm>> -> memref<10240xi32, #tpu.memory_space<hbm>>
      tpu.wait_dma2 semaphore(%run_scoped3A : memref<!tpu.dma_semaphore, #tpu.memory_space<semaphore_mem>>) src(%dma_wait3A_21 : memref<10240xi32, #tpu.memory_space<hbm>>) dst(%arg6 : memref<10240xi32, #tpu.memory_space<vmem>>)
      tpu.yield
    }) : () -> ()
    %scan3A = arith.constant 0 : i32
    %scan3A_3 = arith.constant 128 : i32
    %scan3A_4 = arith.addi %scan3A, %scan3A_3 : i32
    %scan3A_5 = arith.constant 1 : i32
    scf.for %scan3A_20 = %scan3A to %scan3A_4 step %scan3A_5  : i32 {
      %mul3A_21 = arith.constant 1 : i32
      %mul3A_22 = arith.muli %scan3A_20, %mul3A_21 : i32
      %add3A_23 = arith.constant 0 : i32
      %add3A_24 = arith.addi %add3A_23, %mul3A_22 : i32
      %scan3A_25 = arith.constant 0 : i32
      %scan3A_26 = arith.constant 8 : i32
      %scan3A_27 = arith.addi %scan3A_25, %scan3A_26 : i32
      %scan3A_28 = arith.constant 1 : i32
      scf.for %scan3A_30 = %scan3A_25 to %scan3A_27 step %scan3A_28  : i32 {
        %mul3A_31 = arith.constant 16 : i32
        %mul3A_32 = arith.muli %scan3A_30, %mul3A_31 : i32
        %add3A_33 = arith.constant 0 : i32
        %add3A_34 = arith.addi %add3A_33, %mul3A_32 : i32
        %broadcast_in_dim3A = arith.constant 0.000000e+00 : f32
        %broadcast_in_dim3A_35 = vector.broadcast %broadcast_in_dim3A : f32 to vector<16xf32>
        %swap3A = arith.index_cast %add3A_24 : i32 to index
        %swap3A_36 = arith.index_cast %add3A_34 : i32 to index
        %swap3A_37 = tpu.vector_load %arg8[%swap3A, %swap3A_36] {strides = array<i32>} : memref<128x128xf32, #tpu.memory_space<vmem>>, vector<1x16xf32>,
        %swap3A_38 = vector.shape_cast %swap3A_37 : vector<1x16xf32> to vector<16xf32>
        %swap3A_39 = vector.shape_cast %broadcast_in_dim3A_35 : vector<16xf32> to vector<1x16xf32>
        tpu.vector_store %arg8[%swap3A, %swap3A_36], %swap3A_39 {strides = array<i32>} : memref<128x128xf32, #tpu.memory_space<vmem>>, vector<1x16xf32>,
      }
      %scan3A_29 = arith.constant 8 : i32
    }
    %scan3A_6 = arith.constant 128 : i32
    %scan3A_7 = arith.constant 0 : i32
    %scan3A_8 = arith.constant 5 : i32
    %scan3A_9 = arith.addi %scan3A_7, %scan3A_8 : i32
    %scan3A_10 = arith.constant 1 : i32
    scf.for %scan3A_20 = %scan3A_7 to %scan3A_9 step %scan3A_10  : i32 {
      %mul3A_21 = arith.constant 128 : i32
      %mul3A_22 = arith.muli %scan3A_20, %mul3A_21 : i32
      %add3A_23 = arith.constant 0 : i32
      %add3A_24 = arith.addi %add3A_23, %mul3A_22 : i32
      %mul3A_25 = arith.constant 640 : i32
      %mul3A_26 = arith.muli %arg1, %mul3A_25 : i32
      %add3A_27 = arith.addi %mul3A_26, %add3A_24 : i32
      "tpu.region"() ({
        %run_scoped3A = tpu.sem_alloc : memref<!tpu.dma_semaphore, #tpu.memory_space<semaphore_mem>>
        %dma_start3A = arith.constant 0 : i32
        %dma_start3A_28 = tpu.memref_slice %arg9[%add3A_27, %dma_start3A] : memref<10240x128xf32, #tpu.memory_space<vmem_shared>> -> memref<128x128xf32, #tpu.memory_space<vmem_shared>>
        %dma_start3A_29 = arith.constant 0 : i32
        %dma_start3A_30 = tpu.memref_slice %arg9[%add3A_27, %dma_start3A_29] : memref<10240x128xf32, #tpu.memory_space<vmem_shared>> -> memref<128x128xf32, #tpu.memory_space<vmem_shared>>
        tpu.enqueue_dma source(%arg8 : memref<128x128xf32, #tpu.memory_space<vmem>>) target(%dma_start3A_30 : memref<128x128xf32, #tpu.memory_space<vmem_shared>>) target_semaphore(%run_scoped3A : memref<!tpu.dma_semaphore, #tpu.memory_space<semaphore_mem>>)
        %dma_wait3A = arith.constant 0 : i32
        %dma_wait3A_31 = tpu.memref_slice %arg9[%add3A_27, %dma_wait3A] : memref<10240x128xf32, #tpu.memory_space<vmem_shared>> -> memref<128x128xf32, #tpu.memory_space<vmem_shared>>
        %dma_wait3A_32 = arith.constant 0 : i32
        %dma_wait3A_33 = tpu.memref_slice %arg9[%add3A_27, %dma_wait3A_32] : memref<10240x128xf32, #tpu.memory_space<vmem_shared>> -> memref<128x128xf32, #tpu.memory_space<vmem_shared>>
        tpu.wait_dma2 semaphore(%run_scoped3A : memref<!tpu.dma_semaphore, #tpu.memory_space<semaphore_mem>>) src(%arg8 : memref<128x128xf32, #tpu.memory_space<vmem>>) dst(%dma_wait3A_33 : memref<128x128xf32, #tpu.memory_space<vmem_shared>>)
        tpu.yield
      }) : () -> ()
    }
    %scan3A_11 = arith.constant 5 : i32
    %barrier3A = arith.constant 0 : index
    tpu.barrier barrier_id(%barrier3A)
    %scan3A_12 = arith.constant 0 : i32
    %scan3A_13 = arith.constant 80 : i32
    %scan3A_14 = arith.addi %scan3A_12, %scan3A_13 : i32
    %scan3A_15 = arith.constant 1 : i32
    scf.for %scan3A_20 = %scan3A_12 to %scan3A_14 step %scan3A_15  : i32 {
      %mul3A_21 = arith.constant 1 : i32
      %mul3A_22 = arith.muli %scan3A_20, %mul3A_21 : i32
      %add3A_23 = arith.constant 0 : i32
      %add3A_24 = arith.addi %add3A_23, %mul3A_22 : i32
      %mul3A_25 = arith.constant 128 : i32
      %mul3A_26 = arith.muli %add3A_24, %mul3A_25 : i32
      "tpu.region"() ({
        %run_scoped3A = tpu.sem_alloc : memref<!tpu.dma_semaphore, #tpu.memory_space<semaphore_mem>>
        %dma_start3A = tpu.memref_slice %arg6[%mul3A_26] : memref<10240xi32, #tpu.memory_space<vmem>> -> memref<128xi32, #tpu.memory_space<vmem>>
        %dma_start3A_32 = arith.constant 0 : i32
        %dma_start3A_33 = arith.constant 0 : i32
        %dma_start3A_34 = tpu.memref_slice %arg2[%dma_start3A_32, %dma_start3A_33] : memref<10240x128xf32, #tpu.memory_space<hbm>> -> memref<10240x128xf32, #tpu.memory_space<hbm>>
        tpu.enqueue_indirect_dma source(%dma_start3A_34 : memref<10240x128xf32, #tpu.memory_space<hbm>>) target(%arg8 : memref<128x128xf32, #tpu.memory_space<vmem>>) offsets(%dma_start3A : memref<128xi32, #tpu.memory_space<vmem>>) semaphore(%run_scoped3A : memref<!tpu.dma_semaphore, #tpu.memory_space<semaphore_mem>>)
        %dma_wait3A = tpu.memref_slice %arg6[%mul3A_26] : memref<10240xi32, #tpu.memory_space<vmem>> -> memref<128xi32, #tpu.memory_space<vmem>>
        %dma_wait3A_35 = arith.constant 0 : i32
        %dma_wait3A_36 = arith.constant 0 : i32
        %dma_wait3A_37 = tpu.memref_slice %arg2[%dma_wait3A_35, %dma_wait3A_36] : memref<10240x128xf32, #tpu.memory_space<hbm>> -> memref<10240x128xf32, #tpu.memory_space<hbm>>
        tpu.wait_indirect_dma semaphore(%run_scoped3A : memref<!tpu.dma_semaphore, #tpu.memory_space<semaphore_mem>>) src(%dma_wait3A_37 : memref<10240x128xf32, #tpu.memory_space<hbm>>) dst(%arg8 : memref<128x128xf32, #tpu.memory_space<vmem>>)
        tpu.yield
      }) : () -> ()
      %mul3A_27 = arith.constant 10240 : i32
      %mul3A_28 = arith.muli %add3A, %mul3A_27 : i32
      %mul3A_29 = arith.constant 128 : i32
      %mul3A_30 = arith.muli %add3A_24, %mul3A_29 : i32
      %add3A_31 = arith.addi %mul3A_28, %mul3A_30 : i32
      "tpu.region"() ({
        %run_scoped3A = tpu.sem_alloc : memref<!tpu.dma_semaphore, #tpu.memory_space<semaphore_mem>>
        %dma_start3A = tpu.memref_slice %arg4[%add3A_31] : memref<327680xi32, #tpu.memory_space<hbm>> -> memref<128xi32, #tpu.memory_space<hbm>>
        %dma_start3A_32 = tpu.memref_slice %arg4[%add3A_31] : memref<327680xi32, #tpu.memory_space<hbm>> -> memref<128xi32, #tpu.memory_space<hbm>>
        tpu.enqueue_dma source(%dma_start3A_32 : memref<128xi32, #tpu.memory_space<hbm>>) target(%arg7 : memref<128xi32, #tpu.memory_space<vmem>>) target_semaphore(%run_scoped3A : memref<!tpu.dma_semaphore, #tpu.memory_space<semaphore_mem>>)
        %dma_wait3A = tpu.memref_slice %arg4[%add3A_31] : memref<327680xi32, #tpu.memory_space<hbm>> -> memref<128xi32, #tpu.memory_space<hbm>>
        %dma_wait3A_33 = tpu.memref_slice %arg4[%add3A_31] : memref<327680xi32, #tpu.memory_space<hbm>> -> memref<128xi32, #tpu.memory_space<hbm>>
        tpu.wait_dma2 semaphore(%run_scoped3A : memref<!tpu.dma_semaphore, #tpu.memory_space<semaphore_mem>>) src(%dma_wait3A_33 : memref<128xi32, #tpu.memory_space<hbm>>) dst(%arg7 : memref<128xi32, #tpu.memory_space<vmem>>)
        tpu.yield
      }) : () -> ()
      "tpu.region"() ({
        %run_scoped3A = tpu.sem_alloc : memref<!tpu.dma_semaphore, #tpu.memory_space<semaphore_mem>>
        %dma_start3A = arith.constant 0 : i32
        %dma_start3A_32 = arith.constant 0 : i32
        %dma_start3A_33 = tpu.memref_slice %arg9[%dma_start3A, %dma_start3A_32] : memref<10240x128xf32, #tpu.memory_space<vmem_shared>> -> memref<10240x128xf32, #tpu.memory_space<vmem_shared>>
        tpu.enqueue_indirect_dma source(%arg8 : memref<128x128xf32, #tpu.memory_space<vmem>>) target(%dma_start3A_33 : memref<10240x128xf32, #tpu.memory_space<vmem_shared>>) offsets(%arg7 : memref<128xi32, #tpu.memory_space<vmem>>) semaphore(%run_scoped3A : memref<!tpu.dma_semaphore, #tpu.memory_space<semaphore_mem>>) {add = true}
        %dma_wait3A = arith.constant 0 : i32
        %dma_wait3A_34 = arith.constant 0 : i32
        %dma_wait3A_35 = tpu.memref_slice %arg9[%dma_wait3A, %dma_wait3A_34] : memref<10240x128xf32, #tpu.memory_space<vmem_shared>> -> memref<10240x128xf32, #tpu.memory_space<vmem_shared>>
        tpu.wait_indirect_dma semaphore(%run_scoped3A : memref<!tpu.dma_semaphore, #tpu.memory_space<semaphore_mem>>) src(%arg8 : memref<128x128xf32, #tpu.memory_space<vmem>>) dst(%dma_wait3A_35 : memref<10240x128xf32, #tpu.memory_space<vmem_shared>>)
        tpu.yield
      }) : () -> ()
    }
    %scan3A_16 = arith.constant 80 : i32
    %barrier3A_17 = arith.constant 0 : index
    tpu.barrier barrier_id(%barrier3A_17)
    %mul3A_18 = arith.constant 640 : i32
    %mul3A_19 = arith.muli %arg1, %mul3A_18 : i32
    "tpu.region"() ({
      %run_scoped3A = tpu.sem_alloc : memref<!tpu.dma_semaphore, #tpu.memory_space<semaphore_mem>>
      %dma_start3A = arith.constant 0 : i32
      %dma_start3A_20 = arith.constant 0 : i32
      %dma_start3A_21 = tpu.memref_slice %arg5[%arg0, %dma_start3A, %dma_start3A_20] : memref<2x10240x128xf32, #tpu.memory_space<hbm>> -> memref<1x10240x128xf32, #tpu.memory_space<hbm>>
      %dma_start3A_22 = tpu.memref_squeeze %dma_start3A_21 : memref<1x10240x128xf32, #tpu.memory_space<hbm>> -> memref<10240x128xf32, #tpu.memory_space<hbm>>
      %dma_start3A_23 = arith.constant 0 : i32
      %dma_start3A_24 = tpu.memref_slice %dma_start3A_22[%mul3A_19, %dma_start3A_23] : memref<10240x128xf32, #tpu.memory_space<hbm>> -> memref<640x128xf32, #tpu.memory_space<hbm>>
      %dma_start3A_25 = arith.constant 0 : i32
      %dma_start3A_26 = tpu.memref_slice %arg9[%mul3A_19, %dma_start3A_25] : memref<10240x128xf32, #tpu.memory_space<vmem_shared>> -> memref<640x128xf32, #tpu.memory_space<vmem_shared>>
      tpu.enqueue_dma source(%dma_start3A_26 : memref<640x128xf32, #tpu.memory_space<vmem_shared>>) target(%dma_start3A_24 : memref<640x128xf32, #tpu.memory_space<hbm>>) target_semaphore(%run_scoped3A : memref<!tpu.dma_semaphore, #tpu.memory_space<semaphore_mem>>)
      %dma_wait3A = arith.constant 0 : i32
      %dma_wait3A_27 = arith.constant 0 : i32
      %dma_wait3A_28 = tpu.memref_slice %arg5[%arg0, %dma_wait3A, %dma_wait3A_27] : memref<2x10240x128xf32, #tpu.memory_space<hbm>> -> memref<1x10240x128xf32, #tpu.memory_space<hbm>>
      %dma_wait3A_29 = tpu.memref_squeeze %dma_wait3A_28 : memref<1x10240x128xf32, #tpu.memory_space<hbm>> -> memref<10240x128xf32, #tpu.memory_space<hbm>>
      %dma_wait3A_30 = arith.constant 0 : i32
      %dma_wait3A_31 = tpu.memref_slice %dma_wait3A_29[%mul3A_19, %dma_wait3A_30] : memref<10240x128xf32, #tpu.memory_space<hbm>> -> memref<640x128xf32, #tpu.memory_space<hbm>>
      %dma_wait3A_32 = arith.constant 0 : i32
      %dma_wait3A_33 = tpu.memref_slice %arg9[%mul3A_19, %dma_wait3A_32] : memref<10240x128xf32, #tpu.memory_space<vmem_shared>> -> memref<640x128xf32, #tpu.memory_space<vmem_shared>>
      tpu.wait_dma2 semaphore(%run_scoped3A : memref<!tpu.dma_semaphore, #tpu.memory_space<semaphore_mem>>) src(%dma_wait3A_33 : memref<640x128xf32, #tpu.memory_space<vmem_shared>>) dst(%dma_wait3A_31 : memref<640x128xf32, #tpu.memory_space<hbm>>)
      tpu.yield
    }) : () -> ()
    return
  }
}

module attributes {stable_mosaic.version = 14 : i64} {
  func.func @_norm_body(%arg0: memref<10240x32xf32, #tpu.memory_space<vmem>>, %arg1: memref<10240x32xf32, #tpu.memory_space<vmem>>, %arg2: memref<10240x128xf32, #tpu.memory_space<vmem>>, %arg3: memref<10240x128xf32, #tpu.memory_space<vmem>>, %arg4: memref<10240x1xf32, #tpu.memory_space<vmem>>, %arg5: memref<10240x1xf32, #tpu.memory_space<vmem>>) attributes {dimension_semantics = [], scalar_prefetch = 0 : i64, scratch_operands = 0 : i64, tpu.core_type = #tpu.core_type<tc>} {
    %get3A = arith.constant 0 : index
    %get3A_0 = arith.constant 0 : index
    %get3A_1 = vector.load %arg0[%get3A, %get3A_0] : memref<10240x32xf32, #tpu.memory_space<vmem>>, vector<10240x32xf32>
    %reduce_sum3A = arith.constant dense<0.000000e+00> : vector<10240xf32>
    %reduce_sum3A_2 = vector.multi_reduction <add>, %get3A_1, %reduce_sum3A [1] : vector<10240x32xf32> to vector<10240xf32>
    %broadcast_in_dim3A = vector.shape_cast %reduce_sum3A_2 : vector<10240xf32> to vector<10240x1xf32>
    %get3A_3 = arith.constant 0 : index
    %get3A_4 = arith.constant 0 : index
    %get3A_5 = vector.load %arg1[%get3A_3, %get3A_4] : memref<10240x32xf32, #tpu.memory_space<vmem>>, vector<10240x32xf32>
    %reduce_sum3A_6 = arith.constant dense<0.000000e+00> : vector<10240xf32>
    %reduce_sum3A_7 = vector.multi_reduction <add>, %get3A_5, %reduce_sum3A_6 [1] : vector<10240x32xf32> to vector<10240xf32>
    %broadcast_in_dim3A_8 = vector.shape_cast %reduce_sum3A_7 : vector<10240xf32> to vector<10240x1xf32>
    %gt3A = arith.constant 0.000000e+00 : f32
    %gt3A_9 = vector.broadcast %gt3A : f32 to vector<10240x1xf32>
    %gt3A_10 = arith.cmpf ogt, %broadcast_in_dim3A, %gt3A_9 : vector<10240x1xf32>
    %rsqrt3A = math.rsqrt %broadcast_in_dim3A : vector<10240x1xf32>
    %jit3A = arith.constant 0.000000e+00 : f32
    %broadcast_in_dim3A_11 = vector.broadcast %jit3A : f32 to vector<10240x1xf32>
    %select_n3A = arith.select %gt3A_10, %rsqrt3A, %broadcast_in_dim3A_11 : vector<10240x1xi1>, vector<10240x1xf32>
    %gt3A_12 = arith.constant 0.000000e+00 : f32
    %gt3A_13 = vector.broadcast %gt3A_12 : f32 to vector<10240x1xf32>
    %gt3A_14 = arith.cmpf ogt, %broadcast_in_dim3A_8, %gt3A_13 : vector<10240x1xf32>
    %rsqrt3A_15 = math.rsqrt %broadcast_in_dim3A_8 : vector<10240x1xf32>
    %jit3A_16 = arith.constant 0.000000e+00 : f32
    %broadcast_in_dim3A_17 = vector.broadcast %jit3A_16 : f32 to vector<10240x1xf32>
    %select_n3A_18 = arith.select %gt3A_14, %rsqrt3A_15, %broadcast_in_dim3A_17 : vector<10240x1xi1>, vector<10240x1xf32>
    %swap3A = arith.constant 0 : index
    %swap3A_19 = arith.constant 0 : index
    %swap3A_20 = vector.load %arg4[%swap3A, %swap3A_19] : memref<10240x1xf32, #tpu.memory_space<vmem>>, vector<10240x1xf32>
    tpu.vector_store %arg4[%swap3A, %swap3A_19], %select_n3A {strides = array<i32>} : memref<10240x1xf32, #tpu.memory_space<vmem>>, vector<10240x1xf32>,
    %swap3A_21 = arith.constant 0 : index
    %swap3A_22 = arith.constant 0 : index
    %swap3A_23 = vector.load %arg5[%swap3A_21, %swap3A_22] : memref<10240x1xf32, #tpu.memory_space<vmem>>, vector<10240x1xf32>
    tpu.vector_store %arg5[%swap3A_21, %swap3A_22], %select_n3A_18 {strides = array<i32>} : memref<10240x1xf32, #tpu.memory_space<vmem>>, vector<10240x1xf32>,
    %get3A_24 = arith.constant 0 : index
    %get3A_25 = arith.constant 0 : index
    %get3A_26 = vector.load %arg2[%get3A_24, %get3A_25] : memref<10240x128xf32, #tpu.memory_space<vmem>>, vector<10240x128xf32>
    %mul3A = vector.broadcast %select_n3A : vector<10240x1xf32> to vector<10240x128xf32>
    %mul3A_27 = arith.mulf %get3A_26, %mul3A : vector<10240x128xf32>
    %swap3A_28 = arith.constant 0 : index
    %swap3A_29 = arith.constant 0 : index
    %swap3A_30 = vector.load %arg3[%swap3A_28, %swap3A_29] : memref<10240x128xf32, #tpu.memory_space<vmem>>, vector<10240x128xf32>
    tpu.vector_store %arg3[%swap3A_28, %swap3A_29], %mul3A_27 {strides = array<i32>} : memref<10240x128xf32, #tpu.memory_space<vmem>>, vector<10240x128xf32>,
    return
  }
}

module attributes {stable_mosaic.version = 14 : i64} {
  func.func @_pool_body(%arg0: i32, %arg1: memref<2x1024x128xf32, #tpu.memory_space<vmem>>, %arg2: memref<1024x1xf32, #tpu.memory_space<vmem>>, %arg3: memref<128x128xf32, #tpu.memory_space<vmem>>, %arg4: memref<1x128xf32, #tpu.memory_space<vmem>>, %arg5: memref<1x128xf32, #tpu.memory_space<vmem>>) attributes {dimension_semantics = [#tpu.dimension_semantics<arbitrary>], iteration_bounds = array<i64: 10>, scalar_prefetch = 0 : i64, scratch_operands = 0 : i64, tpu.core_type = #tpu.core_type<tc>, window_params = [{transform_indices = @transform_0, window_bounds = array<i64: 2, 1024, 128>}, {transform_indices = @transform_1, window_bounds = array<i64: 1024, 1>}, {pipeline_mode = #tpu.pipeline_mode<synchronous>, transform_indices = @transform_2, window_bounds = array<i64: 128, 128>}, {pipeline_mode = #tpu.pipeline_mode<synchronous>, transform_indices = @transform_3, window_bounds = array<i64: 1, 128>}, {pipeline_mode = #tpu.pipeline_mode<synchronous>, transform_indices = @transform_4, window_bounds = array<i64: 1, 128>}]} {
    %get3A = arith.constant 0 : index
    %get3A_0 = arith.constant 0 : index
    %get3A_1 = arith.constant 0 : index
    %get3A_2 = vector.load %arg1[%get3A, %get3A_0, %get3A_1] : memref<2x1024x128xf32, #tpu.memory_space<vmem>>, vector<1x1024x128xf32>
    %get3A_3 = vector.shape_cast %get3A_2 : vector<1x1024x128xf32> to vector<1024x128xf32>
    %get3A_4 = arith.constant 1 : index
    %get3A_5 = arith.constant 0 : index
    %get3A_6 = arith.constant 0 : index
    %get3A_7 = vector.load %arg1[%get3A_4, %get3A_5, %get3A_6] : memref<2x1024x128xf32, #tpu.memory_space<vmem>>, vector<1x1024x128xf32>
    %get3A_8 = vector.shape_cast %get3A_7 : vector<1x1024x128xf32> to vector<1024x128xf32>
    %add3A = arith.addf %get3A_3, %get3A_8 : vector<1024x128xf32>
    %get3A_9 = arith.constant 0 : index
    %get3A_10 = arith.constant 0 : index
    %get3A_11 = vector.load %arg2[%get3A_9, %get3A_10] : memref<1024x1xf32, #tpu.memory_space<vmem>>, vector<1024x1xf32>
    %mul3A = vector.broadcast %get3A_11 : vector<1024x1xf32> to vector<1024x128xf32>
    %mul3A_12 = arith.mulf %add3A, %mul3A : vector<1024x128xf32>
    %get3A_13 = arith.constant 0 : index
    %get3A_14 = arith.constant 0 : index
    %get3A_15 = vector.load %arg3[%get3A_13, %get3A_14] : memref<128x128xf32, #tpu.memory_space<vmem>>, vector<128x128xf32>
    %dot_general3A = arith.constant dense<0.000000e+00> : vector<1024x128xf32>
    %dot_general3A_16 = tpu.matmul %mul3A_12, %get3A_15, %dot_general3A {dimension_numbers = #tpu.dot_dimension_numbers<[1], [0], [0], [1], [0, 0, 1, 1], [], []>, precision = #tpu.contract_precision<fp32>, transpose_lhs_hint = false} : vector<1024x128xf32>, vector<128x128xf32>, vector<1024x128xf32> -> vector<1024x128xf32>
    %get3A_17 = arith.constant 0 : index
    %get3A_18 = arith.constant 0 : index
    %get3A_19 = vector.load %arg4[%get3A_17, %get3A_18] : memref<1x128xf32, #tpu.memory_space<vmem>>, vector<1x128xf32>
    %add3A_20 = vector.broadcast %get3A_19 : vector<1x128xf32> to vector<1024x128xf32>
    %add3A_21 = arith.addf %dot_general3A_16, %add3A_20 : vector<1024x128xf32>
    %gt3A = arith.constant 0.000000e+00 : f32
    %gt3A_22 = vector.broadcast %gt3A : f32 to vector<1024x128xf32>
    %gt3A_23 = arith.cmpf ogt, %add3A_21, %gt3A_22 : vector<1024x128xf32>
    %exp3A = math.exp %add3A_21 : vector<1024x128xf32>
    %sub3A = arith.constant 1.000000e+00 : f32
    %sub3A_24 = vector.broadcast %sub3A : f32 to vector<1024x128xf32>
    %sub3A_25 = arith.subf %exp3A, %sub3A_24 : vector<1024x128xf32>
    %mul3A_26 = arith.constant 1.67326319 : f32
    %mul3A_27 = vector.broadcast %mul3A_26 : f32 to vector<1024x128xf32>
    %mul3A_28 = arith.mulf %mul3A_27, %sub3A_25 : vector<1024x128xf32>
    %select_n3A = arith.select %gt3A_23, %add3A_21, %mul3A_28 : vector<1024x128xi1>, vector<1024x128xf32>
    %mul3A_29 = arith.constant 1.05070102 : f32
    %mul3A_30 = vector.broadcast %mul3A_29 : f32 to vector<1024x128xf32>
    %mul3A_31 = arith.mulf %mul3A_30, %select_n3A : vector<1024x128xf32>
    %mul3A_32 = arith.constant 1024 : i32
    %mul3A_33 = arith.muli %arg0, %mul3A_32 : i32
    %iota3A = tpu.iota {dimensions = array<i32: 0>} : vector<1024x128xi32>
    %add3A_34 = vector.broadcast %mul3A_33 : i32 to vector<1024x128xi32>
    %add3A_35 = arith.addi %add3A_34, %iota3A : vector<1024x128xi32>
    %lt3A = arith.constant 10000 : i32
    %lt3A_36 = vector.broadcast %lt3A : i32 to vector<1024x128xi32>
    %lt3A_37 = arith.cmpi slt, %add3A_35, %lt3A_36 : vector<1024x128xi32>
    %jit3A = arith.constant 0.000000e+00 : f32
    %broadcast_in_dim3A = vector.broadcast %jit3A : f32 to vector<1024x128xf32>
    %select_n3A_38 = arith.select %lt3A_37, %mul3A_31, %broadcast_in_dim3A : vector<1024x128xi1>, vector<1024x128xf32>
    %reduce_sum3A = arith.constant dense<0.000000e+00> : vector<128xf32>
    %reduce_sum3A_39 = vector.multi_reduction <add>, %select_n3A_38, %reduce_sum3A [0] : vector<1024x128xf32> to vector<128xf32>
    %broadcast_in_dim3A_40 = vector.shape_cast %reduce_sum3A_39 : vector<128xf32> to vector<1x128xf32>
    %eq3A = arith.constant 0 : i32
    %eq3A_41 = arith.cmpi eq, %arg0, %eq3A : i32
    %convert_element_type3A = arith.extui %eq3A_41 : i1 to i32
    %cond3A = arith.constant 0 : i32
    %cond3A_42 = arith.cmpi ne, %convert_element_type3A, %cond3A : i32
    scf.if %cond3A_42 {
      %broadcast_in_dim3A_49 = arith.constant 0.000000e+00 : f32
      %broadcast_in_dim3A_50 = vector.broadcast %broadcast_in_dim3A_49 : f32 to vector<1x128xf32>
      %swap3A_51 = arith.constant 0 : index
      %swap3A_52 = arith.constant 0 : index
      %swap3A_53 = vector.load %arg5[%swap3A_51, %swap3A_52] : memref<1x128xf32, #tpu.memory_space<vmem>>, vector<1x128xf32>
      tpu.vector_store %arg5[%swap3A_51, %swap3A_52], %broadcast_in_dim3A_50 {strides = array<i32>} : memref<1x128xf32, #tpu.memory_space<vmem>>, vector<1x128xf32>,
    } else {
    }
    %get3A_43 = arith.constant 0 : index
    %get3A_44 = arith.constant 0 : index
    %get3A_45 = vector.load %arg5[%get3A_43, %get3A_44] : memref<1x128xf32, #tpu.memory_space<vmem>>, vector<1x128xf32>
    %add3A_46 = arith.addf %get3A_45, %broadcast_in_dim3A_40 : vector<1x128xf32>
    %swap3A = arith.constant 0 : index
    %swap3A_47 = arith.constant 0 : index
    %swap3A_48 = vector.load %arg5[%swap3A, %swap3A_47] : memref<1x128xf32, #tpu.memory_space<vmem>>, vector<1x128xf32>
    tpu.vector_store %arg5[%swap3A, %swap3A_47], %add3A_46 {strides = array<i32>} : memref<1x128xf32, #tpu.memory_space<vmem>>, vector<1x128xf32>,
    return
  }
  func.func @transform_0(%arg0: i32) -> (i32, i32, i32) {
    %c0_i32 = arith.constant 0 : i32
    %c0_i32_0 = arith.constant 0 : i32
    %c0_i32_1 = arith.constant 0 : i32
    return %c0_i32, %arg0, %c0_i32_0 : i32, i32, i32
  }
  func.func @transform_1(%arg0: i32) -> (i32, i32) {
    %c0_i32 = arith.constant 0 : i32
    %c0_i32_0 = arith.constant 0 : i32
    return %arg0, %c0_i32 : i32, i32
  }
  func.func @transform_2(%arg0: i32) -> (i32, i32) {
    %c0_i32 = arith.constant 0 : i32
    %c0_i32_0 = arith.constant 0 : i32
    %c0_i32_1 = arith.constant 0 : i32
    return %c0_i32, %c0_i32_0 : i32, i32
  }
  func.func @transform_3(%arg0: i32) -> (i32, i32) {
    %c0_i32 = arith.constant 0 : i32
    %c0_i32_0 = arith.constant 0 : i32
    %c0_i32_1 = arith.constant 0 : i32
    return %c0_i32, %c0_i32_0 : i32, i32
  }
  func.func @transform_4(%arg0: i32) -> (i32, i32) {
    %c0_i32 = arith.constant 0 : i32
    %c0_i32_0 = arith.constant 0 : i32
    %c0_i32_1 = arith.constant 0 : i32
    return %c0_i32, %c0_i32_0 : i32, i32
  }
}

module attributes {stable_mosaic.version = 14 : i64} {
  func.func @_layer_body(%arg0: i32, %arg1: memref<2x1024x128xf32, #tpu.memory_space<vmem>>, %arg2: memref<1024x1xf32, #tpu.memory_space<vmem>>, %arg3: memref<1024x1xf32, #tpu.memory_space<vmem>>, %arg4: memref<128x128xf32, #tpu.memory_space<vmem>>, %arg5: memref<1x128xf32, #tpu.memory_space<vmem>>, %arg6: memref<1024x128xf32, #tpu.memory_space<vmem>>) attributes {dimension_semantics = [#tpu.dimension_semantics<arbitrary>], iteration_bounds = array<i64: 10>, scalar_prefetch = 0 : i64, scratch_operands = 0 : i64, tpu.core_type = #tpu.core_type<tc>, window_params = [{transform_indices = @transform_0, window_bounds = array<i64: 2, 1024, 128>}, {transform_indices = @transform_1, window_bounds = array<i64: 1024, 1>}, {transform_indices = @transform_2, window_bounds = array<i64: 1024, 1>}, {pipeline_mode = #tpu.pipeline_mode<synchronous>, transform_indices = @transform_3, window_bounds = array<i64: 128, 128>}, {pipeline_mode = #tpu.pipeline_mode<synchronous>, transform_indices = @transform_4, window_bounds = array<i64: 1, 128>}, {transform_indices = @transform_5, window_bounds = array<i64: 1024, 128>}]} {
    %get3A = arith.constant 0 : index
    %get3A_0 = arith.constant 0 : index
    %get3A_1 = arith.constant 0 : index
    %get3A_2 = vector.load %arg1[%get3A, %get3A_0, %get3A_1] : memref<2x1024x128xf32, #tpu.memory_space<vmem>>, vector<1x1024x128xf32>
    %get3A_3 = vector.shape_cast %get3A_2 : vector<1x1024x128xf32> to vector<1024x128xf32>
    %get3A_4 = arith.constant 1 : index
    %get3A_5 = arith.constant 0 : index
    %get3A_6 = arith.constant 0 : index
    %get3A_7 = vector.load %arg1[%get3A_4, %get3A_5, %get3A_6] : memref<2x1024x128xf32, #tpu.memory_space<vmem>>, vector<1x1024x128xf32>
    %get3A_8 = vector.shape_cast %get3A_7 : vector<1x1024x128xf32> to vector<1024x128xf32>
    %add3A = arith.addf %get3A_3, %get3A_8 : vector<1024x128xf32>
    %get3A_9 = arith.constant 0 : index
    %get3A_10 = arith.constant 0 : index
    %get3A_11 = vector.load %arg2[%get3A_9, %get3A_10] : memref<1024x1xf32, #tpu.memory_space<vmem>>, vector<1024x1xf32>
    %mul3A = vector.broadcast %get3A_11 : vector<1024x1xf32> to vector<1024x128xf32>
    %mul3A_12 = arith.mulf %add3A, %mul3A : vector<1024x128xf32>
    %get3A_13 = arith.constant 0 : index
    %get3A_14 = arith.constant 0 : index
    %get3A_15 = vector.load %arg4[%get3A_13, %get3A_14] : memref<128x128xf32, #tpu.memory_space<vmem>>, vector<128x128xf32>
    %dot_general3A = arith.constant dense<0.000000e+00> : vector<1024x128xf32>
    %dot_general3A_16 = tpu.matmul %mul3A_12, %get3A_15, %dot_general3A {dimension_numbers = #tpu.dot_dimension_numbers<[1], [0], [0], [1], [0, 0, 1, 1], [], []>, precision = #tpu.contract_precision<fp32>, transpose_lhs_hint = false} : vector<1024x128xf32>, vector<128x128xf32>, vector<1024x128xf32> -> vector<1024x128xf32>
    %get3A_17 = arith.constant 0 : index
    %get3A_18 = arith.constant 0 : index
    %get3A_19 = vector.load %arg5[%get3A_17, %get3A_18] : memref<1x128xf32, #tpu.memory_space<vmem>>, vector<1x128xf32>
    %add3A_20 = vector.broadcast %get3A_19 : vector<1x128xf32> to vector<1024x128xf32>
    %add3A_21 = arith.addf %dot_general3A_16, %add3A_20 : vector<1024x128xf32>
    %gt3A = arith.constant 0.000000e+00 : f32
    %gt3A_22 = vector.broadcast %gt3A : f32 to vector<1024x128xf32>
    %gt3A_23 = arith.cmpf ogt, %add3A_21, %gt3A_22 : vector<1024x128xf32>
    %exp3A = math.exp %add3A_21 : vector<1024x128xf32>
    %sub3A = arith.constant 1.000000e+00 : f32
    %sub3A_24 = vector.broadcast %sub3A : f32 to vector<1024x128xf32>
    %sub3A_25 = arith.subf %exp3A, %sub3A_24 : vector<1024x128xf32>
    %mul3A_26 = arith.constant 1.67326319 : f32
    %mul3A_27 = vector.broadcast %mul3A_26 : f32 to vector<1024x128xf32>
    %mul3A_28 = arith.mulf %mul3A_27, %sub3A_25 : vector<1024x128xf32>
    %select_n3A = arith.select %gt3A_23, %add3A_21, %mul3A_28 : vector<1024x128xi1>, vector<1024x128xf32>
    %mul3A_29 = arith.constant 1.05070102 : f32
    %mul3A_30 = vector.broadcast %mul3A_29 : f32 to vector<1024x128xf32>
    %mul3A_31 = arith.mulf %mul3A_30, %select_n3A : vector<1024x128xf32>
    %get3A_32 = arith.constant 0 : index
    %get3A_33 = arith.constant 0 : index
    %get3A_34 = vector.load %arg3[%get3A_32, %get3A_33] : memref<1024x1xf32, #tpu.memory_space<vmem>>, vector<1024x1xf32>
    %mul3A_35 = vector.broadcast %get3A_34 : vector<1024x1xf32> to vector<1024x128xf32>
    %mul3A_36 = arith.mulf %mul3A_31, %mul3A_35 : vector<1024x128xf32>
    %swap3A = arith.constant 0 : index
    %swap3A_37 = arith.constant 0 : index
    %swap3A_38 = vector.load %arg6[%swap3A, %swap3A_37] : memref<1024x128xf32, #tpu.memory_space<vmem>>, vector<1024x128xf32>
    tpu.vector_store %arg6[%swap3A, %swap3A_37], %mul3A_36 {strides = array<i32>} : memref<1024x128xf32, #tpu.memory_space<vmem>>, vector<1024x128xf32>,
    return
  }
  func.func @transform_0(%arg0: i32) -> (i32, i32, i32) {
    %c0_i32 = arith.constant 0 : i32
    %c0_i32_0 = arith.constant 0 : i32
    %c0_i32_1 = arith.constant 0 : i32
    return %c0_i32, %arg0, %c0_i32_0 : i32, i32, i32
  }
  func.func @transform_1(%arg0: i32) -> (i32, i32) {
    %c0_i32 = arith.constant 0 : i32
    %c0_i32_0 = arith.constant 0 : i32
    return %arg0, %c0_i32 : i32, i32
  }
  func.func @transform_2(%arg0: i32) -> (i32, i32) {
    %c0_i32 = arith.constant 0 : i32
    %c0_i32_0 = arith.constant 0 : i32
    return %arg0, %c0_i32 : i32, i32
  }
  func.func @transform_3(%arg0: i32) -> (i32, i32) {
    %c0_i32 = arith.constant 0 : i32
    %c0_i32_0 = arith.constant 0 : i32
    %c0_i32_1 = arith.constant 0 : i32
    return %c0_i32, %c0_i32_0 : i32, i32
  }
  func.func @transform_4(%arg0: i32) -> (i32, i32) {
    %c0_i32 = arith.constant 0 : i32
    %c0_i32_0 = arith.constant 0 : i32
    %c0_i32_1 = arith.constant 0 : i32
    return %c0_i32, %c0_i32_0 : i32, i32
  }
  func.func @transform_5(%arg0: i32) -> (i32, i32) {
    %c0_i32 = arith.constant 0 : i32
    %c0_i32_0 = arith.constant 0 : i32
    return %arg0, %c0_i32 : i32, i32
  }
}

module attributes {stable_mosaic.version = 14 : i64} {
  func.func @_head_body(%arg0: memref<1x128xf32, #tpu.memory_space<vmem>>, %arg1: memref<1x16xf32, #tpu.memory_space<vmem>>, %arg2: memref<128x256xf32, #tpu.memory_space<vmem>>, %arg3: memref<16x256xf32, #tpu.memory_space<vmem>>, %arg4: memref<1x256xf32, #tpu.memory_space<vmem>>, %arg5: memref<256x128xf32, #tpu.memory_space<vmem>>, %arg6: memref<1x128xf32, #tpu.memory_space<vmem>>, %arg7: memref<128x1xf32, #tpu.memory_space<vmem>>, %arg8: memref<1x1xf32, #tpu.memory_space<vmem>>, %arg9: memref<1x1xf32, #tpu.memory_space<vmem>>) attributes {dimension_semantics = [], scalar_prefetch = 0 : i64, scratch_operands = 0 : i64, tpu.core_type = #tpu.core_type<tc>} {
    %get3A = arith.constant 0 : index
    %get3A_0 = arith.constant 0 : index
    %get3A_1 = vector.load %arg0[%get3A, %get3A_0] : memref<1x128xf32, #tpu.memory_space<vmem>>, vector<1x128xf32>
    %mul3A = arith.constant 9.99999974E-5 : f32
    %mul3A_2 = vector.broadcast %mul3A : f32 to vector<1x128xf32>
    %mul3A_3 = arith.mulf %get3A_1, %mul3A_2 : vector<1x128xf32>
    %get3A_4 = arith.constant 0 : index
    %get3A_5 = arith.constant 0 : index
    %get3A_6 = vector.load %arg2[%get3A_4, %get3A_5] : memref<128x256xf32, #tpu.memory_space<vmem>>, vector<128x256xf32>
    %dot_general3A = arith.constant dense<0.000000e+00> : vector<1x256xf32>
    %dot_general3A_7 = tpu.matmul %mul3A_3, %get3A_6, %dot_general3A {dimension_numbers = #tpu.dot_dimension_numbers<[1], [0], [0], [1], [0, 0, 1, 1], [], []>, precision = #tpu.contract_precision<fp32>, transpose_lhs_hint = false} : vector<1x128xf32>, vector<128x256xf32>, vector<1x256xf32> -> vector<1x256xf32>
    %get3A_8 = arith.constant 0 : index
    %get3A_9 = arith.constant 0 : index
    %get3A_10 = vector.load %arg1[%get3A_8, %get3A_9] : memref<1x16xf32, #tpu.memory_space<vmem>>, vector<1x16xf32>
    %get3A_11 = arith.constant 0 : index
    %get3A_12 = arith.constant 0 : index
    %get3A_13 = vector.load %arg3[%get3A_11, %get3A_12] : memref<16x256xf32, #tpu.memory_space<vmem>>, vector<16x256xf32>
    %dot_general3A_14 = arith.constant dense<0.000000e+00> : vector<1x256xf32>
    %dot_general3A_15 = tpu.matmul %get3A_10, %get3A_13, %dot_general3A_14 {dimension_numbers = #tpu.dot_dimension_numbers<[1], [0], [0], [1], [0, 0, 1, 1], [], []>, precision = #tpu.contract_precision<fp32>, transpose_lhs_hint = false} : vector<1x16xf32>, vector<16x256xf32>, vector<1x256xf32> -> vector<1x256xf32>
    %add3A = arith.addf %dot_general3A_7, %dot_general3A_15 : vector<1x256xf32>
    %get3A_16 = arith.constant 0 : index
    %get3A_17 = arith.constant 0 : index
    %get3A_18 = vector.load %arg4[%get3A_16, %get3A_17] : memref<1x256xf32, #tpu.memory_space<vmem>>, vector<1x256xf32>
    %add3A_19 = arith.addf %add3A, %get3A_18 : vector<1x256xf32>
    %gt3A = arith.constant 0.000000e+00 : f32
    %gt3A_20 = vector.broadcast %gt3A : f32 to vector<1x256xf32>
    %gt3A_21 = arith.cmpf ogt, %add3A_19, %gt3A_20 : vector<1x256xf32>
    %exp3A = math.exp %add3A_19 : vector<1x256xf32>
    %sub3A = arith.constant 1.000000e+00 : f32
    %sub3A_22 = vector.broadcast %sub3A : f32 to vector<1x256xf32>
    %sub3A_23 = arith.subf %exp3A, %sub3A_22 : vector<1x256xf32>
    %mul3A_24 = arith.constant 1.67326319 : f32
    %mul3A_25 = vector.broadcast %mul3A_24 : f32 to vector<1x256xf32>
    %mul3A_26 = arith.mulf %mul3A_25, %sub3A_23 : vector<1x256xf32>
    %select_n3A = arith.select %gt3A_21, %add3A_19, %mul3A_26 : vector<1x256xi1>, vector<1x256xf32>
    %mul3A_27 = arith.constant 1.05070102 : f32
    %mul3A_28 = vector.broadcast %mul3A_27 : f32 to vector<1x256xf32>
    %mul3A_29 = arith.mulf %mul3A_28, %select_n3A : vector<1x256xf32>
    %get3A_30 = arith.constant 0 : index
    %get3A_31 = arith.constant 0 : index
    %get3A_32 = vector.load %arg5[%get3A_30, %get3A_31] : memref<256x128xf32, #tpu.memory_space<vmem>>, vector<256x128xf32>
    %dot_general3A_33 = arith.constant dense<0.000000e+00> : vector<1x128xf32>
    %dot_general3A_34 = tpu.matmul %mul3A_29, %get3A_32, %dot_general3A_33 {dimension_numbers = #tpu.dot_dimension_numbers<[1], [0], [0], [1], [0, 0, 1, 1], [], []>, precision = #tpu.contract_precision<fp32>, transpose_lhs_hint = false} : vector<1x256xf32>, vector<256x128xf32>, vector<1x128xf32> -> vector<1x128xf32>
    %get3A_35 = arith.constant 0 : index
    %get3A_36 = arith.constant 0 : index
    %get3A_37 = vector.load %arg6[%get3A_35, %get3A_36] : memref<1x128xf32, #tpu.memory_space<vmem>>, vector<1x128xf32>
    %add3A_38 = arith.addf %dot_general3A_34, %get3A_37 : vector<1x128xf32>
    %gt3A_39 = arith.constant 0.000000e+00 : f32
    %gt3A_40 = vector.broadcast %gt3A_39 : f32 to vector<1x128xf32>
    %gt3A_41 = arith.cmpf ogt, %add3A_38, %gt3A_40 : vector<1x128xf32>
    %exp3A_42 = math.exp %add3A_38 : vector<1x128xf32>
    %sub3A_43 = arith.constant 1.000000e+00 : f32
    %sub3A_44 = vector.broadcast %sub3A_43 : f32 to vector<1x128xf32>
    %sub3A_45 = arith.subf %exp3A_42, %sub3A_44 : vector<1x128xf32>
    %mul3A_46 = arith.constant 1.67326319 : f32
    %mul3A_47 = vector.broadcast %mul3A_46 : f32 to vector<1x128xf32>
    %mul3A_48 = arith.mulf %mul3A_47, %sub3A_45 : vector<1x128xf32>
    %select_n3A_49 = arith.select %gt3A_41, %add3A_38, %mul3A_48 : vector<1x128xi1>, vector<1x128xf32>
    %mul3A_50 = arith.constant 1.05070102 : f32
    %mul3A_51 = vector.broadcast %mul3A_50 : f32 to vector<1x128xf32>
    %mul3A_52 = arith.mulf %mul3A_51, %select_n3A_49 : vector<1x128xf32>
    %get3A_53 = arith.constant 0 : index
    %get3A_54 = arith.constant 0 : index
    %get3A_55 = vector.load %arg7[%get3A_53, %get3A_54] : memref<128x1xf32, #tpu.memory_space<vmem>>, vector<128x1xf32>
    %dot_general3A_56 = arith.constant dense<0.000000e+00> : vector<1x1xf32>
    %dot_general3A_57 = tpu.matmul %mul3A_52, %get3A_55, %dot_general3A_56 {dimension_numbers = #tpu.dot_dimension_numbers<[1], [0], [0], [1], [0, 0, 1, 1], [], []>, precision = #tpu.contract_precision<fp32>, transpose_lhs_hint = false} : vector<1x128xf32>, vector<128x1xf32>, vector<1x1xf32> -> vector<1x1xf32>
    %get3A_58 = arith.constant 0 : index
    %get3A_59 = arith.constant 0 : index
    %get3A_60 = vector.load %arg8[%get3A_58, %get3A_59] : memref<1x1xf32, #tpu.memory_space<vmem>>, vector<1x1xf32>
    %add3A_61 = arith.addf %dot_general3A_57, %get3A_60 : vector<1x1xf32>
    %swap3A = arith.constant 0 : index
    %swap3A_62 = arith.constant 0 : index
    %swap3A_63 = vector.load %arg9[%swap3A, %swap3A_62] : memref<1x1xf32, #tpu.memory_space<vmem>>, vector<1x1xf32>
    tpu.vector_store %arg9[%swap3A, %swap3A_62], %add3A_61 {strides = array<i32>} : memref<1x1xf32, #tpu.memory_space<vmem>>, vector<1x1xf32>,
    return
  }
}

</mosaic_0001>

<sc_bundles>
// kernel: kernel.11.cloned.1.call-start
scs
__scs_entry_jumppad:
0x0: {  	(pc) =	sbr.rel $0x88, $3  }
0x1: {  	(tag) =	ssettag $0x0;
	lr =	simm.s32 $0x1  }
0x2: {  	[smem:$0x3F92] =	sst lr;
	_ =	strace $0xD0000000  }
0x3: {  	_ = 	snop  }
0x4: {  	_ = 	snop  }
0x5: {  	_ = 	snop  }
0x6: {  	_ = 	snop  }
0x7: {  	_ = 	snop  }
__scs_overlays_trampoline_lowered:
0x8: {  	[smem:$0x3FA1] =	sst s0  }
0x9: {  	[smem:$0x3FA2] =	sst s1  }
0xa: {  	[smem:$0x3FA3] =	sst s2  }
0xb: {  	[smem:$0x3FA4] =	sst s3  }
0xc: {  	[smem:$0x3FA5] =	sst s4  }
0xd: {  	[smem:$0x3FA6] =	sst s5  }
0xe: {  	[smem:$0x3FA7] =	sst s6  }
0xf: {  	[smem:$0x3FA8] =	sst s7  }
0x10: {  	[smem:$0x3FA9] =	sst s8  }
0x11: {  	[smem:$0x3FAA] =	sst s9;
	s0 =	simm.s32 @!p0 $0x0  }
0x12: {  	s1 =	sld [smem:$0x3F90];
	s0 =	simm.s32 @p0 $0x1  }
0x13: {  	[smem:$0x3FAB] =	sst s0;
	s0 =	simm.s32 @!p1 $0x0  }
0x14: {  	s2 =	sld [smem:$0x3F8F];
	s0 =	simm.s32 @p1 $0x1  }
0x15: {  	[smem:$0x3FAC] =	sst s0;
	s0 =	simm.s32 @!p2 $0x0  }
0x16: {  	s3 =	sld [smem:$0x3FDB];
	s0 =	simm.s32 @p2 $0x1  }
0x17: {  	s4 =	simm.s32 $0x1BF5;
	[smem:$0x3FAE] =	sst s0  }
0x18: {  	s0 =	sld [smem:$0x3F91];
	_ =	swait.ge [sflag:s4], $0x0  }
0x19: {  	s7 =	sld [smem:$0x3F92]  }
0x1a: {  	s8 =	sadd.s32 $0xFFFFE003, lr  }
0x1b: {  	s9 =	sadd.s32 $0xFFFFFEF7, lr;
	s5 =	simm.s32 $0xFFFFFFFF;
	p2 =	slt.u32 s8, $0xFFFFF086  }
0x1c: {  	p1 =	slt.u32 s9, $0xF7A;
	s5 =	simm.s32 @!p2 $0x0  }
0x1d: {  	s5 =	simm.s32 @p1 $0x1;
	p0 =	seq.s32 s7, s2  }
0x1e: {  	s7 =	smul.u32 @!p0 $0xF7A, s2;
	p2 =	seq.s32 @!p0 s5, $0x0  }
0x1f: {  	s9 =	smul.u32 $0xF7A, s1;
	s8 =	simm.s32 @!p0 $0x1BF5;
	p2 =	por !p2, p0  }
0x20: {  	[sflag:s8] =	ssyncset.s32 @!p0 $0xFFFFF086;
	s6 =	sadd.s32 @!p0 s3, s7;
	s7 =	simm.s32 @!p0 $0x108  }
0x21: {  	s3 =	sadd.s32 s3, s9;
	s6 =	sadd.s32 @!p0 $0x88, s6;
	s7 =	simm.s32 @p2 $0x1082  }
0x22: {  	[simem:s7], [sflag:s8] =	dma.local @!p0 [hbm:s6], $0xF7A  }
0x23: {  	s9 =	sor.u32 $0xD0000000, s2;
	s6 =	simm.s32 $0x108;
	_ =	swait.ge @!p0 [sflag:s8], $0x0  }
0x24: {  	s3 =	sadd.s32 $0x88, s3;
	s6 =	simm.s32 @!p1 $0x1082;
	[sflag:s4] =	ssyncset.s32 $0xFFFFF086  }
0x25: {  	[simem:s6], [sflag:s4] =	dma.local [hbm:s3], $0xF7A  }
0x26: {  	[smem:$0x3F92] =	sst s1;
	(tag) =	ssettag s2;
	_ =	strace s9  }
0x27: {  	s1 =	sld [smem:$0x3FA2]  }
0x28: {  	s2 =	sld [smem:$0x3FA3]  }
0x29: {  	s4 =	sld [smem:$0x3FA5]  }
0x2a: {  	p0 =	seq.s32 s5, $0x0;
	s5 =	sld [smem:$0x3FA6]  }
0x2b: {  	s6 =	sld [smem:$0x3FA7]  }
0x2c: {  	s7 =	sld [smem:$0x3FA8]  }
0x2d: {  	s3 =	simm.s32 $0x108;
	s8 =	sld [smem:$0x3FA9]  }
0x2e: {  	s3 =	simm.s32 @!p0 $0x1082;
	s9 =	sld [smem:$0x3FAA]  }
0x2f: {  	lr =	sadd.s32 s0, s3;
	s0 =	sld [smem:$0x3FA1]  }
0x30: {  	s3 =	sld [smem:$0x3FA4]  }
0x31: {  	[smem:$0x3FAD] =	sst s10  }
0x32: {  	s10 =	sld [smem:$0x3FAB];
	_ =	sdelay $0x3  }
0x33: {  	p0 =	seq.s32 s10, $0x1;
	s10 =	sld [smem:$0x3FAD];
	_ =	sdelay $0x3  }
0x34: {  	[smem:$0x3FAD] =	sst s10  }
0x35: {  	s10 =	sld [smem:$0x3FAC];
	_ =	sdelay $0x3  }
0x36: {  	p1 =	seq.s32 s10, $0x1;
	s10 =	sld [smem:$0x3FAD];
	_ =	sdelay $0x3  }
0x37: {  	[smem:$0x3FAD] =	sst s10  }
0x38: {  	s10 =	sld [smem:$0x3FAE]  }
0x39: {  	_ = 	snop;
	(pc) =	sbr.ind lr, $3  }
0x3a: {  	_ = 	snop  }
0x3b: {  	_ = 	snop  }
0x3c: {  	p2 =	seq.s32 s10, $0x1;
	s10 =	sld [smem:$0x3FAD]  }
0x3d: {  	_ =	shalt  }
0x3e: {  	_ =	shalt  }
0x3f: {  	_ =	shalt  }
0x40: {  	_ =	shalt  }
0x41: {  	_ =	shalt  }
0x42: {  	_ =	shalt  }
0x43: {  	_ =	shalt  }
0x44: {  	_ =	shalt  }
0x45: {  	_ =	shalt  }
0x46: {  	_ =	shalt  }
0x47: {  	_ =	shalt  }
0x48: {  	_ =	shalt  }
0x49: {  	_ =	shalt  }
0x4a: {  	_ =	shalt  }
0x4b: {  	_ =	shalt  }
0x4c: {  	_ =	shalt  }
0x4d: {  	_ =	shalt  }
0x4e: {  	_ =	shalt  }
0x4f: {  	_ =	shalt  }
0x50: {  	_ =	shalt  }
0x51: {  	_ =	shalt  }
0x52: {  	_ =	shalt  }
0x53: {  	_ =	shalt  }
0x54: {  	_ =	shalt  }
0x55: {  	_ =	shalt  }
0x56: {  	_ =	shalt  }
0x57: {  	_ =	shalt  }
0x58: {  	_ =	shalt  }
0x59: {  	_ =	shalt  }
0x5a: {  	_ =	shalt  }
0x5b: {  	_ =	shalt  }
0x5c: {  	_ =	shalt  }
0x5d: {  	_ =	shalt  }
0x5e: {  	_ =	shalt  }
0x5f: {  	_ =	shalt  }
0x60: {  	_ =	shalt  }
0x61: {  	_ =	shalt  }
0x62: {  	_ =	shalt  }
0x63: {  	_ =	shalt  }
0x64: {  	_ =	shalt  }
0x65: {  	_ =	shalt  }
0x66: {  	_ =	shalt  }
0x67: {  	_ =	shalt  }
0x68: {  	_ =	shalt  }
0x69: {  	_ =	shalt  }
0x6a: {  	_ =	shalt  }
0x6b: {  	_ =	shalt  }
0x6c: {  	_ =	shalt  }
0x6d: {  	_ =	shalt  }
0x6e: {  	_ =	shalt  }
0x6f: {  	_ =	shalt  }
0x70: {  	_ =	shalt  }
0x71: {  	_ =	shalt  }
0x72: {  	_ =	shalt  }
0x73: {  	_ =	shalt  }
0x74: {  	_ =	shalt  }
0x75: {  	_ =	shalt  }
0x76: {  	_ =	shalt  }
0x77: {  	_ =	shalt  }
0x78: {  	_ =	shalt  }
0x79: {  	_ =	shalt  }
0x7a: {  	_ =	shalt  }
0x7b: {  	_ =	shalt  }
0x7c: {  	_ =	shalt  }
0x7d: {  	_ =	shalt  }
0x7e: {  	_ =	shalt  }
0x7f: {  	_ =	shalt  }
0x80: {  	_ =	shalt  }
0x81: {  	_ =	shalt  }
0x82: {  	_ =	shalt  }
0x83: {  	_ =	shalt  }
0x84: {  	_ =	shalt  }
0x85: {  	_ =	shalt  }
0x86: {  	_ =	shalt  }
0x87: {  	_ =	shalt  }
.Lfunc_end0:
.L_simem_size_0:
called_computation_lowered:
.L_overlay_start_0:
0x88: {  	s2 =	sld [smem:$0x3FD9]  }
0x89: {  	s3 =	sld [smem:$0x3FFE];
	_ =	sdelay $0x1  }
0x8a: {  	s1 =	srdreg.scid  }
0x8b: {  	s0 =	sand.u32 $0x1, s1  }
0x8c: {  	s16 =	sshll.u32 s0, $0xA;
	s2 =	sadd.s32 s3, s2  }
0x8d: {  	s2 =	sadd.s32 s2, s16  }
0x8e: {  	[smem:$0x3FB9] =	sst s2  }
0x8f: {  	_ = 	snop  }
0x90: {  	(tm) =	ssettm $0x1  }
0x91: {  	s17 =	sld [smem:$0x3FFB];
	_ =	sdelay $0x3  }
0x92: {  	_ =	strace s17  }
0x93: {  	s2 =	sld [smem:$0x3FFC];
	_ =	sdelay $0x3  }
0x94: {  	_ =	strace s2  }
0x95: {  	s2 =	sld [smem:$0x3FFD];
	_ =	sdelay $0x3  }
0x96: {  	_ =	strace s2  }
0x97: {  	_ =	strace $0x8FFFFFFF  }
0x98: {  	s18 =	sld [smem:$0x3FDB];
	_ =	sdelay $0x1  }
0x99: {  	s19 =	simm.s32 $_scs_section_size  }
0x9a: {  	s4 =	simm.s32 $_size__tile_overlayer_lowered;
	s5 =	simm.s32 $_tile_overlayer_lowered  }
0x9b: {  	s22 =	simm.s32 $0x1BFF;
	s21 =	sshll.u32 s5, $0x1;
	s2 =	sadd.s32 s19, s18  }
0x9c: {  	s6 =	simm.s32 $0x0;
	s20 =	sshll.u32 s4, $0x1;
	s4 =	sadd.s32 s21, s2  }
0x9d: {  	[timem:s6], [sflag:s22] =	dma.local [hbm:s4], s20  }
0x9e: {  	_ =	swait.ge [sflag:s22], s20  }
0x9f: {  	s3 =	ssub.s32 $0x0, s20;
	[sflag:s22] =	ssyncset.done $0x0  }
0xa0: {  	[sflag:s22] =	ssyncadd.s32 s3;
	_ =	sdelay $0x1  }
0xa1: {  	s23 =	simm.s32 $0x1B8B  }
0xa2: {  	_ =	swait.ge [sflag:s23], $0x1  }
0xa3: {  	[sflag:s23] =	ssyncset.done $0x0  }
0xa4: {  	s25 =	simm.s32 $0x1B8E;
	s24 =	sld [smem:$0x3FFE];
	[sflag:s23] =	ssyncadd.s32 $0xFFFFFFFF  }
0xa5: {  	s26 =	simm.s32 $execute0_lowered;
	[smem:$0x3FD2] =	sst s25  }
0xa6: {  	s4 =	sshll.u32 s26, $0x1;
	_ =	strace $0x80000046;
	[dreg:$0x1] =	wrdreg $0xFFFFFFFF  }
0xa7: {  	s28 =	simm.s32 $_size_execute0_lowered;
	s2 =	sadd.s32 s2, s4;
	[dreg:$0x0] =	wrdreg $0x0  }
0xa8: {  	s4 =	sshll.u32 s28, $0x1;
	[dreg:$0x2] =	wrdreg s2  }
0xa9: {  	[dreg:$0x3] =	wrdreg s4  }
0xaa: {  	[dreg:$0x4] =	wrdreg $0xC0  }
0xab: {  	_ =	task [dreg:s6], $0x5FFFF  }
0xac: {  	[dreg:$0x1] =	wrdreg $0xFFFFFFFF  }
0xad: {  	[dreg:$0x0] =	wrdreg $0x60  }
0xae: {  	[dreg:$0x2] =	wrdreg s24  }
0xaf: {  	[dreg:$0x3] =	wrdreg $0x9  }
0xb0: {  	_ =	task.clear_ibuf [dreg:s6], $0x4FFFF;
	_ =	strace $0x90000046  }
0xb1: {  	s29 =	simm.s32 $0x9;
	_ =	strace $0x80000048  }
0xb2: {  	_ =	swait.ge [sflag:s29], $0x1  }
0xb3: {  	[sflag:s29] =	ssyncadd.s32 $0xFFFFFFFF  }
0xb4: {  	_ =	strace $0x90000048  }
0xb5: {  	_ =	sfence  }
0xb6: {  	s30 =	sld [smem:$0x0];
	_ =	sdelay $0x2  }
0xb7: {  	s31 =	sshll.u32 s1, $0xD;
	s1 =	sshrl.u32 s1, $0x2  }
0xb8: {  	s3 =	sand.u32 $0x4000, s31;
	s1 =	sadd.s32 s1, s30  }
0xb9: {  	s0 =	sor.u32 s3, s0;
	s1 =	sshll.u32 s1, $0x11  }
0xba: {  	s0 =	sor.u32 s1, s0  }
0xbb: {  	s0 =	sadd.s32 $0x8F2B, s0  }
0xbc: {  	[sflag:s0] =	ssyncadd.remote.s32 $0x1  }
0xbd: {  	_ =	sfence.sel $0xFFFF  }
0xbe: {  	[dreg:$0x0] =	wrdreg $0xFFFFFFFF;
	(pc) =	sbr.abs _section_cstart, $3  }
0xbf: {  	[dreg:$0x1] =	wrdreg $0xFFFFFFFF  }
0xc0: {  	_ =	task.clear_ibuf [dreg:s6], $0x2FFFF;
	_ =	strace $0x9FFFFFFF  }
0xc1: {  	(tm) =	ssettm $0x7FFFFFFF  }
tec
execute0_lowered:
.L_overlay_start_1:
0x0: {  	(tag) =	ssettag $0x1  }
0x1: {  	s0 =	srdreg.scid  }
0x2: {  	s4 =	rddreg [dreg:$0x0];
	s8 =	simm.s32 $0x1;
	s9 =	simm.s32 $0x80  }
0x3: {  	s10 =	simm.s32 $0x2880;
	s11 =	simm.s32 $0x400;
	s3 =	sand.u32 $0x1, s0  }
0x4: {  	s12 =	simm.s32 $0x0;
	s0 =	stileid.u32;
	s1 =	sshll.u32 s3, $0x4  }
0x5: {  	s6 =	sshll.u32 s0, $0x7;
	s7 =	smul.u32 $0x5000, s3;
	s2 =	sor.u32 s0, s1  }
0x6: {  	s3 =	ssub.s32 $0x2, s3;
	s30 =	smul.u32 $0x500, s0;
	s5 =	sshrl.u32 s2, $0x3  }
0x7: {  	s1 =	rddreg [dreg:$0x1];
	s6 =	sand.u32 $0x380, s6;
	s5 =	smul.u32 $0x14000, s5  }
0x8: {  	s31 =	sshrl.u32 s3, $0x1;
	s2 =	simm.s32 $0x0;
	s7 =	sadd.s32 s7, s4  }
0x9: {  	[smem:$0x7FF] =	sst s2;
	s7 =	sadd.s32 s30, s7;
	s5 =	sor.u32 s6, s5  }
0xa: {  	_ =	strace $0x80000047;
	s6 =	sadd.s32 $0xD800, s7;
	s5 =	sshrl.u32 s5, $0x3  }
0xb: {  	s7 =	sadd.s32 $0x3800, s7;
	s4 =	sadd.s32 s5, s4;
	s5 =	ssub.s32 s3, s31  }
0xc: {  	v0 =	vimm.f32 $0.0e+00;
	v1 =	vimm.f32 $1.000000000e+00;
	s3 =	sadd.s32 $0x17800, s4;
	s4 =	sadd.s32 $0x21800, s4;
	s5 =	smax.u32 s5, $0x1  }
.LBB2_1:
0xd: {  	s13 =	simm.s32 $0x0  }
.LBB2_2:
0xe: {  	p0 =	sne.s32 s13, $0x9FC0  }
.Ltmp0:
0xf: {  	_ = 	snop;
	(pc) =	sbr.rel @p0 .LBB2_2-.Ltmp0, $4  }
0x10: {  	_ = 	snop  }
0x11: {  	s14 =	sshra.s32 s13, $0x2  }
0x12: {  	[tilespmem:s14+$0x80] =	vst v0  }
0x13: {  	s13 =	sadd.s32 $0x40, s13;
	[tilespmem:s14+$0x2880] =	vst v0  }
0x14: {  	s13 =	simm.s32 $0x0  }
.LBB2_4:
0x15: {  	s14 =	sadd.s32 s13, s7  }
0x16: {  	[tilespmem:s2], [sflag:$0x1] =	stream.linear.gather [hbm4b:s14+s2], $0x80, $0x38;
	[tilespmem:$0x5080] =	vst v63  }
0x17: {  	_ =	swait.ge [sflag:s8], $0x80  }
0x18: {  	[sflag:s8] =	ssyncset.done $0x0  }
0x19: {  	[sflag:s8] =	ssyncadd.s32 $0xFFFFFF80  }
0x1a: {  	v2 =	vld [tilespmem:$0x0];
	_ =	sdelay $0x7  }
0x1b: {  	[tilespmem:v2+s9+$0x0] =	vst.idx.add.f32.msk $0xffff, v1  }
0x1c: {  	v2 =	vld [tilespmem:$0x10];
	_ =	sdelay $0x7  }
0x1d: {  	[tilespmem:v2+s9+$0x0] =	vst.idx.add.f32.msk $0xffff, v1  }
0x1e: {  	v2 =	vld [tilespmem:$0x20];
	_ =	sdelay $0x7  }
0x1f: {  	[tilespmem:v2+s9+$0x0] =	vst.idx.add.f32.msk $0xffff, v1  }
0x20: {  	v2 =	vld [tilespmem:$0x30];
	_ =	sdelay $0x7  }
0x21: {  	[tilespmem:v2+s9+$0x0] =	vst.idx.add.f32.msk $0xffff, v1  }
0x22: {  	v2 =	vld [tilespmem:$0x40];
	_ =	sdelay $0x7  }
0x23: {  	[tilespmem:v2+s9+$0x0] =	vst.idx.add.f32.msk $0xffff, v1  }
0x24: {  	v2 =	vld [tilespmem:$0x50];
	_ =	sdelay $0x7  }
0x25: {  	[tilespmem:v2+s9+$0x0] =	vst.idx.add.f32.msk $0xffff, v1  }
0x26: {  	v2 =	vld [tilespmem:$0x60];
	_ =	sdelay $0x7  }
0x27: {  	[tilespmem:v2+s9+$0x0] =	vst.idx.add.f32.msk $0xffff, v1  }
0x28: {  	v2 =	vld [tilespmem:$0x70];
	_ =	sdelay $0x7  }
0x29: {  	s31 =	sadd.s32 s13, s6;
	[tilespmem:v2+s9+$0x0] =	vst.idx.add.f32.msk $0xffff, v1  }
0x2a: {  	[tilespmem:s2], [sflag:$0x1] =	stream.linear.gather [hbm4b:s31+s2], $0x80, $0x38;
	[tilespmem:$0x5080] =	vst v63  }
0x2b: {  	_ =	swait.ge [sflag:s8], $0x80  }
0x2c: {  	[sflag:s8] =	ssyncset.done $0x0  }
0x2d: {  	[sflag:s8] =	ssyncadd.s32 $0xFFFFFF80  }
0x2e: {  	v2 =	vld [tilespmem:$0x0];
	_ =	sdelay $0x7  }
0x2f: {  	[tilespmem:v2+s10+$0x0] =	vst.idx.add.f32.msk $0xffff, v1  }
0x30: {  	v2 =	vld [tilespmem:$0x10];
	_ =	sdelay $0x7  }
0x31: {  	[tilespmem:v2+s10+$0x0] =	vst.idx.add.f32.msk $0xffff, v1  }
0x32: {  	v2 =	vld [tilespmem:$0x20];
	_ =	sdelay $0x7  }
0x33: {  	[tilespmem:v2+s10+$0x0] =	vst.idx.add.f32.msk $0xffff, v1  }
0x34: {  	v2 =	vld [tilespmem:$0x30];
	_ =	sdelay $0x7  }
0x35: {  	[tilespmem:v2+s10+$0x0] =	vst.idx.add.f32.msk $0xffff, v1  }
0x36: {  	v2 =	vld [tilespmem:$0x40];
	_ =	sdelay $0x7  }
0x37: {  	[tilespmem:v2+s10+$0x0] =	vst.idx.add.f32.msk $0xffff, v1  }
0x38: {  	v2 =	vld [tilespmem:$0x50];
	_ =	sdelay $0x7  }
0x39: {  	[tilespmem:v2+s10+$0x0] =	vst.idx.add.f32.msk $0xffff, v1  }
0x3a: {  	v2 =	vld [tilespmem:$0x60];
	_ =	sdelay $0x7  }
0x3b: {  	[tilespmem:v2+s10+$0x0] =	vst.idx.add.f32.msk $0xffff, v1  }
0x3c: {  	v2 =	vld [tilespmem:$0x70];
	_ =	sdelay $0x2  }
0x3d: {  	p0 =	sne.s32 s13, $0x4F0  }
.Ltmp1:
0x3e: {  	_ = 	snop;
	(pc) =	sbr.rel @p0 .LBB2_4-.Ltmp1, $2  }
0x3f: {  	_ =	sdelay $0x2  }
0x40: {  	s13 =	sadd.s32 $0x10, s13;
	[tilespmem:v2+s10+$0x0] =	vst.idx.add.f32.msk $0xffff, v1  }
0x41: {  	[hbm4b:s3+s9] =	stream.strided.scatter [tilespmem:s9], [sflag:$0x1], $0x2800, s11, s9, $0x38;
	[tilespmem:$0x5080] =	vst v63  }
0x42: {  	s12 =	sadd.s32 $0x1, s12;
	_ =	swait.ge [sflag:s8], $0x2800  }
0x43: {  	p0 =	sne.s32 s12, s5;
	[sflag:s8] =	ssyncset.done $0x0  }
.Ltmp2:
0x44: {  	[sflag:s8] =	ssyncadd.s32 $0xFFFFD800;
	(pc) =	sbr.rel @p0 .LBB2_1-.Ltmp2, $4  }
0x45: {  	[hbm4b:s4+s9] =	stream.strided.scatter [tilespmem:s10], [sflag:$0x1], $0x2800, s11, s9, $0x38;
	[tilespmem:$0x5080] =	vst v63  }
0x46: {  	_ =	swait.ge [sflag:s8], $0x2800  }
0x47: {  	[sflag:s8] =	ssyncset.done $0x0  }
0x48: {  	[sflag:s8] =	ssyncadd.s32 $0xFFFFD800  }
0x49: {  	_ =	sfence.sel $0x180000  }
0x4a: {  	[bflag:$0x0] =	sbarrier.arrive $0xFFFF  }
0x4b: {  	p0 =	sne.s32 s0, $0x0;
	_ =	strace $0x90000047  }
0x4c: {  	s0 =	sadd.s32 @!p0 $0x100000, s1;
	[bflag:$0x2] =	sbarrier.arrive $0xFFFF  }
0x4d: {  	[sflag:s0] =	ssyncadd.tile.s32 @!p0 $0x1;
	_ =	shalt  }
.Lfunc_end2:
_tile_overlayer_lowered:
.L_overlay_start_2:
0x4e: {  	(tag) =	ssettag $0x2  }
0x4f: {  	s0 =	rddreg [dreg:$0x0];
	s2 =	stileid.u32  }
0x50: {  	s1 =	rddreg [dreg:$0x1];
	p0 =	sne.s32 s2, $0x0  }
0x51: {  	s3 =	rddreg [dreg:$0x2];
	[bflag:$0x3] =	sbarrier.arrive $0xFFFF;
	s2 =	simm.s32 @!p0 $0x1C01  }
0x52: {  	[timem:s3], [sflag:s2] =	dma.local @!p0 [hbm:s0], s1  }
0x53: {  	s0 =	simm.s32 @!p0 $0x1  }
0x54: {  	_ =	swait.ge @!p0 [sflag:s0], s1  }
0x55: {  	s1 =	ssub.s32 @!p0 $0x0, s1;
	[sflag:s0] =	ssyncset.done @!p0 $0x0  }
0x56: {  	[sflag:s0] =	ssyncadd.s32 @!p0 s1  }
0x57: {  	[bflag:$0x3] =	sbarrier.arrive $0xFFFF  }
0x58: {  	_ =	shalt  }

// kernel: kernel.14.cloned.1.call-start
scs
__scs_entry_jumppad:
0x0: {  	(pc) =	sbr.rel $0x88, $3  }
0x1: {  	(tag) =	ssettag $0x0;
	lr =	simm.s32 $0x1  }
0x2: {  	[smem:$0x3F92] =	sst lr;
	_ =	strace $0xD0000000  }
0x3: {  	_ = 	snop  }
0x4: {  	_ = 	snop  }
0x5: {  	_ = 	snop  }
0x6: {  	_ = 	snop  }
0x7: {  	_ = 	snop  }
__scs_overlays_trampoline_lowered:
0x8: {  	[smem:$0x3FA1] =	sst s0  }
0x9: {  	[smem:$0x3FA2] =	sst s1  }
0xa: {  	[smem:$0x3FA3] =	sst s2  }
0xb: {  	[smem:$0x3FA4] =	sst s3  }
0xc: {  	[smem:$0x3FA5] =	sst s4  }
0xd: {  	[smem:$0x3FA6] =	sst s5  }
0xe: {  	[smem:$0x3FA7] =	sst s6  }
0xf: {  	[smem:$0x3FA8] =	sst s7  }
0x10: {  	[smem:$0x3FA9] =	sst s8  }
0x11: {  	[smem:$0x3FAA] =	sst s9;
	s0 =	simm.s32 @!p0 $0x0  }
0x12: {  	s1 =	sld [smem:$0x3F90];
	s0 =	simm.s32 @p0 $0x1  }
0x13: {  	[smem:$0x3FAB] =	sst s0;
	s0 =	simm.s32 @!p1 $0x0  }
0x14: {  	s2 =	sld [smem:$0x3F8F];
	s0 =	simm.s32 @p1 $0x1  }
0x15: {  	[smem:$0x3FAC] =	sst s0;
	s0 =	simm.s32 @!p2 $0x0  }
0x16: {  	s3 =	sld [smem:$0x3FDB];
	s0 =	simm.s32 @p2 $0x1  }
0x17: {  	s4 =	simm.s32 $0x1BF5;
	[smem:$0x3FAE] =	sst s0  }
0x18: {  	s0 =	sld [smem:$0x3F91];
	_ =	swait.ge [sflag:s4], $0x0  }
0x19: {  	s7 =	sld [smem:$0x3F92]  }
0x1a: {  	s8 =	sadd.s32 $0xFFFFE003, lr  }
0x1b: {  	s9 =	sadd.s32 $0xFFFFFEF7, lr;
	s5 =	simm.s32 $0xFFFFFFFF;
	p2 =	slt.u32 s8, $0xFFFFF086  }
0x1c: {  	p1 =	slt.u32 s9, $0xF7A;
	s5 =	simm.s32 @!p2 $0x0  }
0x1d: {  	s5 =	simm.s32 @p1 $0x1;
	p0 =	seq.s32 s7, s2  }
0x1e: {  	s7 =	smul.u32 @!p0 $0xF7A, s2;
	p2 =	seq.s32 @!p0 s5, $0x0  }
0x1f: {  	s9 =	smul.u32 $0xF7A, s1;
	s8 =	simm.s32 @!p0 $0x1BF5;
	p2 =	por !p2, p0  }
0x20: {  	[sflag:s8] =	ssyncset.s32 @!p0 $0xFFFFF086;
	s6 =	sadd.s32 @!p0 s3, s7;
	s7 =	simm.s32 @!p0 $0x108  }
0x21: {  	s3 =	sadd.s32 s3, s9;
	s6 =	sadd.s32 @!p0 $0x88, s6;
	s7 =	simm.s32 @p2 $0x1082  }
0x22: {  	[simem:s7], [sflag:s8] =	dma.local @!p0 [hbm:s6], $0xF7A  }
0x23: {  	s9 =	sor.u32 $0xD0000000, s2;
	s6 =	simm.s32 $0x108;
	_ =	swait.ge @!p0 [sflag:s8], $0x0  }
0x24: {  	s3 =	sadd.s32 $0x88, s3;
	s6 =	simm.s32 @!p1 $0x1082;
	[sflag:s4] =	ssyncset.s32 $0xFFFFF086  }
0x25: {  	[simem:s6], [sflag:s4] =	dma.local [hbm:s3], $0xF7A  }
0x26: {  	[smem:$0x3F92] =	sst s1;
	(tag) =	ssettag s2;
	_ =	strace s9  }
0x27: {  	s1 =	sld [smem:$0x3FA2]  }
0x28: {  	s2 =	sld [smem:$0x3FA3]  }
0x29: {  	s4 =	sld [smem:$0x3FA5]  }
0x2a: {  	p0 =	seq.s32 s5, $0x0;
	s5 =	sld [smem:$0x3FA6]  }
0x2b: {  	s6 =	sld [smem:$0x3FA7]  }
0x2c: {  	s7 =	sld [smem:$0x3FA8]  }
0x2d: {  	s3 =	simm.s32 $0x108;
	s8 =	sld [smem:$0x3FA9]  }
0x2e: {  	s3 =	simm.s32 @!p0 $0x1082;
	s9 =	sld [smem:$0x3FAA]  }
0x2f: {  	lr =	sadd.s32 s0, s3;
	s0 =	sld [smem:$0x3FA1]  }
0x30: {  	s3 =	sld [smem:$0x3FA4]  }
0x31: {  	[smem:$0x3FAD] =	sst s10  }
0x32: {  	s10 =	sld [smem:$0x3FAB];
	_ =	sdelay $0x3  }
0x33: {  	p0 =	seq.s32 s10, $0x1;
	s10 =	sld [smem:$0x3FAD];
	_ =	sdelay $0x3  }
0x34: {  	[smem:$0x3FAD] =	sst s10  }
0x35: {  	s10 =	sld [smem:$0x3FAC];
	_ =	sdelay $0x3  }
0x36: {  	p1 =	seq.s32 s10, $0x1;
	s10 =	sld [smem:$0x3FAD];
	_ =	sdelay $0x3  }
0x37: {  	[smem:$0x3FAD] =	sst s10  }
0x38: {  	s10 =	sld [smem:$0x3FAE]  }
0x39: {  	_ = 	snop;
	(pc) =	sbr.ind lr, $3  }
0x3a: {  	_ = 	snop  }
0x3b: {  	_ = 	snop  }
0x3c: {  	p2 =	seq.s32 s10, $0x1;
	s10 =	sld [smem:$0x3FAD]  }
0x3d: {  	_ =	shalt  }
0x3e: {  	_ =	shalt  }
0x3f: {  	_ =	shalt  }
0x40: {  	_ =	shalt  }
0x41: {  	_ =	shalt  }
0x42: {  	_ =	shalt  }
0x43: {  	_ =	shalt  }
0x44: {  	_ =	shalt  }
0x45: {  	_ =	shalt  }
0x46: {  	_ =	shalt  }
0x47: {  	_ =	shalt  }
0x48: {  	_ =	shalt  }
0x49: {  	_ =	shalt  }
0x4a: {  	_ =	shalt  }
0x4b: {  	_ =	shalt  }
0x4c: {  	_ =	shalt  }
0x4d: {  	_ =	shalt  }
0x4e: {  	_ =	shalt  }
0x4f: {  	_ =	shalt  }
0x50: {  	_ =	shalt  }
0x51: {  	_ =	shalt  }
0x52: {  	_ =	shalt  }
0x53: {  	_ =	shalt  }
0x54: {  	_ =	shalt  }
0x55: {  	_ =	shalt  }
0x56: {  	_ =	shalt  }
0x57: {  	_ =	shalt  }
0x58: {  	_ =	shalt  }
0x59: {  	_ =	shalt  }
0x5a: {  	_ =	shalt  }
0x5b: {  	_ =	shalt  }
0x5c: {  	_ =	shalt  }
0x5d: {  	_ =	shalt  }
0x5e: {  	_ =	shalt  }
0x5f: {  	_ =	shalt  }
0x60: {  	_ =	shalt  }
0x61: {  	_ =	shalt  }
0x62: {  	_ =	shalt  }
0x63: {  	_ =	shalt  }
0x64: {  	_ =	shalt  }
0x65: {  	_ =	shalt  }
0x66: {  	_ =	shalt  }
0x67: {  	_ =	shalt  }
0x68: {  	_ =	shalt  }
0x69: {  	_ =	shalt  }
0x6a: {  	_ =	shalt  }
0x6b: {  	_ =	shalt  }
0x6c: {  	_ =	shalt  }
0x6d: {  	_ =	shalt  }
0x6e: {  	_ =	shalt  }
0x6f: {  	_ =	shalt  }
0x70: {  	_ =	shalt  }
0x71: {  	_ =	shalt  }
0x72: {  	_ =	shalt  }
0x73: {  	_ =	shalt  }
0x74: {  	_ =	shalt  }
0x75: {  	_ =	shalt  }
0x76: {  	_ =	shalt  }
0x77: {  	_ =	shalt  }
0x78: {  	_ =	shalt  }
0x79: {  	_ =	shalt  }
0x7a: {  	_ =	shalt  }
0x7b: {  	_ =	shalt  }
0x7c: {  	_ =	shalt  }
0x7d: {  	_ =	shalt  }
0x7e: {  	_ =	shalt  }
0x7f: {  	_ =	shalt  }
0x80: {  	_ =	shalt  }
0x81: {  	_ =	shalt  }
0x82: {  	_ =	shalt  }
0x83: {  	_ =	shalt  }
0x84: {  	_ =	shalt  }
0x85: {  	_ =	shalt  }
0x86: {  	_ =	shalt  }
0x87: {  	_ =	shalt  }
.Lfunc_end0:
.L_simem_size_0:
called_computation.1_lowered:
.L_overlay_start_0:
0x88: {  	s2 =	sld [smem:$0x3FD9]  }
0x89: {  	s3 =	sld [smem:$0x3FFE];
	_ =	sdelay $0x1  }
0x8a: {  	s1 =	srdreg.scid  }
0x8b: {  	s0 =	sand.u32 $0x1, s1  }
0x8c: {  	s16 =	sshll.u32 s0, $0xA;
	s2 =	sadd.s32 s3, s2  }
0x8d: {  	s2 =	sadd.s32 s2, s16  }
0x8e: {  	[smem:$0x3FB9] =	sst s2  }
0x8f: {  	_ = 	snop  }
0x90: {  	(tm) =	ssettm $0x1  }
0x91: {  	s17 =	sld [smem:$0x3FFB];
	_ =	sdelay $0x3  }
0x92: {  	_ =	strace s17  }
0x93: {  	s2 =	sld [smem:$0x3FFC];
	_ =	sdelay $0x3  }
0x94: {  	_ =	strace s2  }
0x95: {  	s2 =	sld [smem:$0x3FFD];
	_ =	sdelay $0x3  }
0x96: {  	_ =	strace s2  }
0x97: {  	_ =	strace $0x8FFFFFFF  }
0x98: {  	s18 =	sld [smem:$0x3FDB];
	_ =	sdelay $0x1  }
0x99: {  	s19 =	simm.s32 $_scs_section_size  }
0x9a: {  	s4 =	simm.s32 $_size__tile_overlayer_lowered;
	s5 =	simm.s32 $_tile_overlayer_lowered  }
0x9b: {  	s22 =	simm.s32 $0x1BFF;
	s21 =	sshll.u32 s5, $0x1;
	s2 =	sadd.s32 s19, s18  }
0x9c: {  	s6 =	simm.s32 $0x0;
	s20 =	sshll.u32 s4, $0x1;
	s4 =	sadd.s32 s21, s2  }
0x9d: {  	[timem:s6], [sflag:s22] =	dma.local [hbm:s4], s20  }
0x9e: {  	_ =	swait.ge [sflag:s22], s20  }
0x9f: {  	s3 =	ssub.s32 $0x0, s20;
	[sflag:s22] =	ssyncset.done $0x0  }
0xa0: {  	[sflag:s22] =	ssyncadd.s32 s3;
	_ =	sdelay $0x1  }
0xa1: {  	s23 =	simm.s32 $0x1B8B  }
0xa2: {  	_ =	swait.ge [sflag:s23], $0x1  }
0xa3: {  	[sflag:s23] =	ssyncset.done $0x0  }
0xa4: {  	s25 =	simm.s32 $0x1B8E;
	s24 =	sld [smem:$0x3FFE];
	[sflag:s23] =	ssyncadd.s32 $0xFFFFFFFF  }
0xa5: {  	s26 =	simm.s32 $execute0_lowered;
	[smem:$0x3FD2] =	sst s25  }
0xa6: {  	s4 =	sshll.u32 s26, $0x1;
	_ =	strace $0x80000049;
	[dreg:$0x1] =	wrdreg $0xFFFFFFFF  }
0xa7: {  	s28 =	simm.s32 $_size_execute0_lowered;
	s2 =	sadd.s32 s2, s4;
	[dreg:$0x0] =	wrdreg $0x0  }
0xa8: {  	s4 =	sshll.u32 s28, $0x1;
	[dreg:$0x2] =	wrdreg s2  }
0xa9: {  	[dreg:$0x3] =	wrdreg s4  }
0xaa: {  	[dreg:$0x4] =	wrdreg $0xC0  }
0xab: {  	_ =	task [dreg:s6], $0x5FFFF  }
0xac: {  	[dreg:$0x1] =	wrdreg $0xFFFFFFFF  }
0xad: {  	[dreg:$0x0] =	wrdreg $0x60  }
0xae: {  	[dreg:$0x2] =	wrdreg s24  }
0xaf: {  	[dreg:$0x3] =	wrdreg $0x68800  }
0xb0: {  	[dreg:$0x4] =	wrdreg $0x9  }
0xb1: {  	_ =	task.clear_ibuf [dreg:s6], $0x5FFFF;
	_ =	strace $0x90000049  }
0xb2: {  	s29 =	simm.s32 $0x9;
	_ =	strace $0x8000004B  }
0xb3: {  	_ =	swait.ge [sflag:s29], $0x1  }
0xb4: {  	[sflag:s29] =	ssyncadd.s32 $0xFFFFFFFF  }
0xb5: {  	_ =	strace $0x9000004B  }
0xb6: {  	_ =	sfence  }
0xb7: {  	s30 =	sld [smem:$0x0];
	_ =	sdelay $0x2  }
0xb8: {  	s31 =	sshll.u32 s1, $0xD;
	s1 =	sshrl.u32 s1, $0x2  }
0xb9: {  	s3 =	sand.u32 $0x4000, s31;
	s1 =	sadd.s32 s1, s30  }
0xba: {  	s0 =	sor.u32 s3, s0;
	s1 =	sshll.u32 s1, $0x11  }
0xbb: {  	s0 =	sor.u32 s1, s0  }
0xbc: {  	s0 =	sadd.s32 $0x8F2B, s0  }
0xbd: {  	[sflag:s0] =	ssyncadd.remote.s32 $0x1  }
0xbe: {  	_ =	sfence.sel $0xFFFF  }
0xbf: {  	[dreg:$0x0] =	wrdreg $0xFFFFFFFF;
	(pc) =	sbr.abs _section_cstart, $3  }
0xc0: {  	[dreg:$0x1] =	wrdreg $0xFFFFFFFF  }
0xc1: {  	_ =	task.clear_ibuf [dreg:s6], $0x2FFFF;
	_ =	strace $0x9FFFFFFF  }
0xc2: {  	(tm) =	ssettm $0x7FFFFFFF  }
0xc3: {  	_ =	shalt  }
tec
execute0_lowered:
.L_overlay_start_1:
0x0: {  	(tag) =	ssettag $0x1  }
0x1: {  	s0 =	srdreg.scid;
	s6 =	rddreg [dreg:$0x0]  }
0x2: {  	s2 =	rddreg [dreg:$0x1];
	s3 =	simm.s32 $0x0;
	s13 =	simm.s32 $0x1  }
0x3: {  	s14 =	simm.s32 $0x2880;
	s15 =	simm.s32 $0x80;
	s16 =	simm.s32 $0x2800  }
0x4: {  	s20 =	simm.s32 $0x0;
	s5 =	sand.u32 $0x1, s0;
	s0 =	stileid.u32  }
0x5: {  	[smem:$0x7FF] =	sst s3;
	s4 =	sadd.s32 $0x17800, s6;
	s8 =	smul.u32 $0x28000, s5  }
0x6: {  	s1 =	sshll.u32 s5, $0x4;
	s17 =	smul.u32 $0x2800, s0;
	s5 =	ssub.s32 $0x2, s5  }
0x7: {  	s10 =	smul.u32 $0x50000, s0;
	s31 =	sshll.u32 s0, $0x6;
	s1 =	sor.u32 s0, s1  }
0x8: {  	s29 =	sshrl.u32 s5, $0x1;
	s7 =	smul.u32 $0x2800, s1;
	s1 =	rddreg [dreg:$0x2]  }
0x9: {  	_ =	strace $0x8000004A;
	s9 =	sadd.s32 s17, s8;
	s8 =	sadd.s32 s8, s6  }
0xa: {  	s30 =	sshrl.u32 s10, $0x2;
	s9 =	sshrl.u32 s9, $0x3;
	s18 =	sadd.s32 $0x3F800, s8  }
0xb: {  	s7 =	sshrl.u32 s7, $0x3;
	s12 =	sadd.s32 s9, s6;
	s9 =	ssub.s32 s5, s29  }
0xc: {  	s17 =	sadd.s32 s17, s18;
	s18 =	sor.u32 $0x1C01, s31;
	s7 =	sadd.s32 s7, s6  }
0xd: {  	s6 =	sadd.s32 s30, s2;
	s12 =	sadd.s32 $0xD800, s12;
	s5 =	sadd.s32 $0x3800, s7  }
0xe: {  	s7 =	smax.u32 s9, $0x1;
	s8 =	sadd.s32 $0x4000, s6;
	s9 =	sadd.s32 $0x8000, s6  }
0xf: {  	v0 =	vimm.f32 $0.0e+00;
	s10 =	sadd.s32 $0xC000, s6;
	s11 =	sadd.s32 $0x10000, s6;
	s19 =	sshrl.u32 s6, $0x3  }
.LBB2_1:
0x10: {  	[tilespmem:s3], [sflag:$0x1] =	stream.linear.gather [hbm4b:s5+s3], $0x2800, $0x38;
	[tilespmem:$0x1A880] =	vst v63  }
0x11: {  	_ =	swait.ge [sflag:s13], $0x2800  }
0x12: {  	[sflag:s13] =	ssyncset.done $0x0  }
0x13: {  	s21 =	simm.s32 $0x0;
	s22 =	simm.s32 $0x200;
	[sflag:s13] =	ssyncadd.s32 $0xFFFFD800  }
.LBB2_2:
0x14: {  	p0 =	sne.s32 s22, $0xFE00;
	[tilespmem:s21+$0x28F0] =	vst v0  }
0x15: {  	[tilespmem:s21+$0x2880] =	vst v0  }
0x16: {  	[tilespmem:s21+$0x2890] =	vst v0  }
.Ltmp0:
0x17: {  	[tilespmem:s21+$0x28A0] =	vst v0;
	(pc) =	sbr.rel @p0 .LBB2_2-.Ltmp0, $4  }
0x18: {  	[tilespmem:s21+$0x28B0] =	vst v0  }
0x19: {  	[tilespmem:s21+$0x28C0] =	vst v0  }
0x1a: {  	[tilespmem:s21+$0x28D0] =	vst v0  }
0x1b: {  	[tilespmem:s21+$0x28E0] =	vst v0;
	s21 =	sshra.s32 s22, $0x2;
	s22 =	sadd.s32 $0x200, s22  }
0x1c: {  	[tilespmem:s21+$0x28F0] =	vst v0  }
0x1d: {  	[tilespmem:s21+$0x2880] =	vst v0  }
0x1e: {  	[tilespmem:s21+$0x2890] =	vst v0  }
0x1f: {  	[tilespmem:s21+$0x28A0] =	vst v0  }
0x20: {  	[tilespmem:s21+$0x28B0] =	vst v0  }
0x21: {  	[tilespmem:s21+$0x28C0] =	vst v0  }
0x22: {  	[tilespmem:s21+$0x28D0] =	vst v0  }
0x23: {  	[tilespmem:s21+$0x28E0] =	vst v0  }
0x24: {  	[spmem:s6] =	stream.linear.scatter [tilespmem:s14], [sflag:$0x1], $0x4000, $0x38;
	[tilespmem:$0x1A880] =	vst v63  }
0x25: {  	_ =	swait.ge [sflag:s13], $0x4000  }
0x26: {  	[sflag:s13] =	ssyncset.done $0x0  }
0x27: {  	[sflag:s13] =	ssyncadd.s32 $0xFFFFC000  }
0x28: {  	[spmem:s8] =	stream.linear.scatter [tilespmem:s14], [sflag:$0x1], $0x4000, $0x38;
	[tilespmem:$0x1A880] =	vst v63  }
0x29: {  	_ =	swait.ge [sflag:s13], $0x4000  }
0x2a: {  	[sflag:s13] =	ssyncset.done $0x0  }
0x2b: {  	[sflag:s13] =	ssyncadd.s32 $0xFFFFC000  }
0x2c: {  	[spmem:s9] =	stream.linear.scatter [tilespmem:s14], [sflag:$0x1], $0x4000, $0x38;
	[tilespmem:$0x1A880] =	vst v63  }
0x2d: {  	_ =	swait.ge [sflag:s13], $0x4000  }
0x2e: {  	[sflag:s13] =	ssyncset.done $0x0  }
0x2f: {  	[sflag:s13] =	ssyncadd.s32 $0xFFFFC000  }
0x30: {  	[spmem:s10] =	stream.linear.scatter [tilespmem:s14], [sflag:$0x1], $0x4000, $0x38;
	[tilespmem:$0x1A880] =	vst v63  }
0x31: {  	_ =	swait.ge [sflag:s13], $0x4000  }
0x32: {  	[sflag:s13] =	ssyncset.done $0x0  }
0x33: {  	[sflag:s13] =	ssyncadd.s32 $0xFFFFC000  }
0x34: {  	[spmem:s11] =	stream.linear.scatter [tilespmem:s14], [sflag:$0x1], $0x4000, $0x38;
	[tilespmem:$0x1A880] =	vst v63  }
0x35: {  	_ =	swait.ge [sflag:s13], $0x4000  }
0x36: {  	[sflag:s13] =	ssyncset.done $0x0  }
0x37: {  	[sflag:s13] =	ssyncadd.s32 $0xFFFFC000  }
0x38: {  	s21 =	simm.s32 $0x0;
	[bflag:$0x0] =	sbarrier.arrive $0xFFFF  }
0x39: {  	[tilespmem:s14], [sflag:$0x1] =	stream.indirect.gather [hbm4b:s4+s15], $0x80, s21, s15, $0xb8;
	[tilespmem:$0x1A880] =	vst v63  }
0x3a: {  	_ =	swait.ge [sflag:s13], $0x4000  }
0x3b: {  	[sflag:s13] =	ssyncset.done $0x0  }
0x3c: {  	s22 =	sadd.s32 $0x0, s12;
	[sflag:s13] =	ssyncadd.s32 $0xFFFFC000  }
0x3d: {  	[tilespmem:s16], [sflag:$0x1] =	stream.linear.gather [hbm4b:s22+s3], $0x80, $0x38;
	[tilespmem:$0x1A880] =	vst v63  }
0x3e: {  	_ =	swait.ge [sflag:s13], $0x80  }
0x3f: {  	[sflag:s13] =	ssyncset.done $0x0  }
0x40: {  	[sflag:s13] =	ssyncadd.s32 $0xFFFFFF80  }
0x41: {  	[spmem:s2] =	stream.indirect.scatter.add.f32 [tilespmem:s14], [sflag:$0x1], $0x80, s16, s15, $0xb8;
	[tilespmem:$0x1A880] =	vst v63  }
0x42: {  	_ =	swait.ge [sflag:s13], $0x4000  }
0x43: {  	s22 =	simm.s32 $0x10;
	[sflag:s13] =	ssyncset.done $0x0  }
.LBB2_4:
0x44: {  	p0 =	sne.s32 s22, $0x4F0;
	[sflag:s13] =	ssyncadd.s32 $0xFFFFC000;
	s21 =	sadd.s32 $0x80, s21  }
0x45: {  	[tilespmem:s14], [sflag:$0x1] =	stream.indirect.gather [hbm4b:s4+s15], $0x80, s21, s15, $0xb8;
	[tilespmem:$0x1A880] =	vst v63  }
0x46: {  	s23 =	smov.u32 s22;
	s22 =	sadd.s32 $0x10, s22;
	_ =	swait.ge [sflag:s13], $0x4000  }
0x47: {  	[sflag:s13] =	ssyncset.done $0x0  }
0x48: {  	s23 =	sadd.s32 s23, s12;
	[sflag:s13] =	ssyncadd.s32 $0xFFFFC000  }
0x49: {  	[tilespmem:s16], [sflag:$0x1] =	stream.linear.gather [hbm4b:s23+s3], $0x80, $0x38;
	[tilespmem:$0x1A880] =	vst v63  }
0x4a: {  	_ =	swait.ge [sflag:s13], $0x80  }
.Ltmp1:
0x4b: {  	[sflag:s13] =	ssyncset.done $0x0;
	(pc) =	sbr.rel @p0 .LBB2_4-.Ltmp1, $4  }
0x4c: {  	[sflag:s13] =	ssyncadd.s32 $0xFFFFFF80  }
0x4d: {  	[spmem:s2] =	stream.indirect.scatter.add.f32 [tilespmem:s14], [sflag:$0x1], $0x80, s16, s15, $0xb8;
	[tilespmem:$0x1A880] =	vst v63  }
0x4e: {  	_ =	swait.ge [sflag:s13], $0x4000  }
0x4f: {  	[sflag:s13] =	ssyncset.done $0x0  }
0x50: {  	s20 =	sadd.s32 $0x1, s20  }
0x51: {  	[sflag:s13] =	ssyncadd.s32 $0xFFFFC000;
	p0 =	sne.s32 s20, s7  }
.Ltmp2:
0x52: {  	[bflag:$0x0] =	sbarrier.arrive $0xFFFF;
	(pc) =	sbr.rel @p0 .LBB2_1-.Ltmp2, $4  }
0x53: {  	[hbm:s17], [sflag:s18] =	dma.local [spmem:s19], $0x2800  }
0x54: {  	_ =	swait.ge [sflag:s13], $0x2800  }
0x55: {  	[sflag:s13] =	ssyncset.done $0x0  }
0x56: {  	[sflag:s13] =	ssyncadd.s32 $0xFFFFD800  }
0x57: {  	_ =	sfence.sel $0x180000  }
0x58: {  	[bflag:$0x0] =	sbarrier.arrive $0xFFFF  }
0x59: {  	p0 =	sne.s32 s0, $0x0;
	_ =	strace $0x9000004A  }
0x5a: {  	s0 =	sadd.s32 @!p0 $0x100000, s1;
	[bflag:$0x2] =	sbarrier.arrive $0xFFFF  }
0x5b: {  	[sflag:s0] =	ssyncadd.tile.s32 @!p0 $0x1;
	_ =	shalt  }
.Lfunc_end2:
_tile_overlayer_lowered:
.L_overlay_start_2:
0x5c: {  	(tag) =	ssettag $0x2  }
0x5d: {  	s0 =	rddreg [dreg:$0x0];
	s2 =	stileid.u32  }
0x5e: {  	s1 =	rddreg [dreg:$0x1];
	p0 =	sne.s32 s2, $0x0  }
0x5f: {  	s3 =	rddreg [dreg:$0x2];
	[bflag:$0x3] =	sbarrier.arrive $0xFFFF;
	s2 =	simm.s32 @!p0 $0x1C01  }
0x60: {  	[timem:s3], [sflag:s2] =	dma.local @!p0 [hbm:s0], s1  }
0x61: {  	s0 =	simm.s32 @!p0 $0x1  }
0x62: {  	_ =	swait.ge @!p0 [sflag:s0], s1  }
0x63: {  	s1 =	ssub.s32 @!p0 $0x0, s1;
	[sflag:s0] =	ssyncset.done @!p0 $0x0  }
0x64: {  	[sflag:s0] =	ssyncadd.s32 @!p0 s1  }
0x65: {  	[bflag:$0x3] =	sbarrier.arrive $0xFFFF  }
0x66: {  	_ =	shalt  }

// kernel: kernel.17.cloned.1.call-start
scs
__scs_entry_jumppad:
0x0: {  	(pc) =	sbr.rel $0x88, $3  }
0x1: {  	(tag) =	ssettag $0x0;
	lr =	simm.s32 $0x1  }
0x2: {  	[smem:$0x3F92] =	sst lr;
	_ =	strace $0xD0000000  }
0x3: {  	_ = 	snop  }
0x4: {  	_ = 	snop  }
0x5: {  	_ = 	snop  }
0x6: {  	_ = 	snop  }
0x7: {  	_ = 	snop  }
__scs_overlays_trampoline_lowered:
0x8: {  	[smem:$0x3FA1] =	sst s0  }
0x9: {  	[smem:$0x3FA2] =	sst s1  }
0xa: {  	[smem:$0x3FA3] =	sst s2  }
0xb: {  	[smem:$0x3FA4] =	sst s3  }
0xc: {  	[smem:$0x3FA5] =	sst s4  }
0xd: {  	[smem:$0x3FA6] =	sst s5  }
0xe: {  	[smem:$0x3FA7] =	sst s6  }
0xf: {  	[smem:$0x3FA8] =	sst s7  }
0x10: {  	[smem:$0x3FA9] =	sst s8  }
0x11: {  	[smem:$0x3FAA] =	sst s9;
	s0 =	simm.s32 @!p0 $0x0  }
0x12: {  	s1 =	sld [smem:$0x3F90];
	s0 =	simm.s32 @p0 $0x1  }
0x13: {  	[smem:$0x3FAB] =	sst s0;
	s0 =	simm.s32 @!p1 $0x0  }
0x14: {  	s2 =	sld [smem:$0x3F8F];
	s0 =	simm.s32 @p1 $0x1  }
0x15: {  	[smem:$0x3FAC] =	sst s0;
	s0 =	simm.s32 @!p2 $0x0  }
0x16: {  	s3 =	sld [smem:$0x3FDB];
	s0 =	simm.s32 @p2 $0x1  }
0x17: {  	s4 =	simm.s32 $0x1BF5;
	[smem:$0x3FAE] =	sst s0  }
0x18: {  	s0 =	sld [smem:$0x3F91];
	_ =	swait.ge [sflag:s4], $0x0  }
0x19: {  	s7 =	sld [smem:$0x3F92]  }
0x1a: {  	s8 =	sadd.s32 $0xFFFFE003, lr  }
0x1b: {  	s9 =	sadd.s32 $0xFFFFFEF7, lr;
	s5 =	simm.s32 $0xFFFFFFFF;
	p2 =	slt.u32 s8, $0xFFFFF086  }
0x1c: {  	p1 =	slt.u32 s9, $0xF7A;
	s5 =	simm.s32 @!p2 $0x0  }
0x1d: {  	s5 =	simm.s32 @p1 $0x1;
	p0 =	seq.s32 s7, s2  }
0x1e: {  	s7 =	smul.u32 @!p0 $0xF7A, s2;
	p2 =	seq.s32 @!p0 s5, $0x0  }
0x1f: {  	s9 =	smul.u32 $0xF7A, s1;
	s8 =	simm.s32 @!p0 $0x1BF5;
	p2 =	por !p2, p0  }
0x20: {  	[sflag:s8] =	ssyncset.s32 @!p0 $0xFFFFF086;
	s6 =	sadd.s32 @!p0 s3, s7;
	s7 =	simm.s32 @!p0 $0x108  }
0x21: {  	s3 =	sadd.s32 s3, s9;
	s6 =	sadd.s32 @!p0 $0x88, s6;
	s7 =	simm.s32 @p2 $0x1082  }
0x22: {  	[simem:s7], [sflag:s8] =	dma.local @!p0 [hbm:s6], $0xF7A  }
0x23: {  	s9 =	sor.u32 $0xD0000000, s2;
	s6 =	simm.s32 $0x108;
	_ =	swait.ge @!p0 [sflag:s8], $0x0  }
0x24: {  	s3 =	sadd.s32 $0x88, s3;
	s6 =	simm.s32 @!p1 $0x1082;
	[sflag:s4] =	ssyncset.s32 $0xFFFFF086  }
0x25: {  	[simem:s6], [sflag:s4] =	dma.local [hbm:s3], $0xF7A  }
0x26: {  	[smem:$0x3F92] =	sst s1;
	(tag) =	ssettag s2;
	_ =	strace s9  }
0x27: {  	s1 =	sld [smem:$0x3FA2]  }
0x28: {  	s2 =	sld [smem:$0x3FA3]  }
0x29: {  	s4 =	sld [smem:$0x3FA5]  }
0x2a: {  	p0 =	seq.s32 s5, $0x0;
	s5 =	sld [smem:$0x3FA6]  }
0x2b: {  	s6 =	sld [smem:$0x3FA7]  }
0x2c: {  	s7 =	sld [smem:$0x3FA8]  }
0x2d: {  	s3 =	simm.s32 $0x108;
	s8 =	sld [smem:$0x3FA9]  }
0x2e: {  	s3 =	simm.s32 @!p0 $0x1082;
	s9 =	sld [smem:$0x3FAA]  }
0x2f: {  	lr =	sadd.s32 s0, s3;
	s0 =	sld [smem:$0x3FA1]  }
0x30: {  	s3 =	sld [smem:$0x3FA4]  }
0x31: {  	[smem:$0x3FAD] =	sst s10  }
0x32: {  	s10 =	sld [smem:$0x3FAB];
	_ =	sdelay $0x3  }
0x33: {  	p0 =	seq.s32 s10, $0x1;
	s10 =	sld [smem:$0x3FAD];
	_ =	sdelay $0x3  }
0x34: {  	[smem:$0x3FAD] =	sst s10  }
0x35: {  	s10 =	sld [smem:$0x3FAC];
	_ =	sdelay $0x3  }
0x36: {  	p1 =	seq.s32 s10, $0x1;
	s10 =	sld [smem:$0x3FAD];
	_ =	sdelay $0x3  }
0x37: {  	[smem:$0x3FAD] =	sst s10  }
0x38: {  	s10 =	sld [smem:$0x3FAE]  }
0x39: {  	_ = 	snop;
	(pc) =	sbr.ind lr, $3  }
0x3a: {  	_ = 	snop  }
0x3b: {  	_ = 	snop  }
0x3c: {  	p2 =	seq.s32 s10, $0x1;
	s10 =	sld [smem:$0x3FAD]  }
0x3d: {  	_ =	shalt  }
0x3e: {  	_ =	shalt  }
0x3f: {  	_ =	shalt  }
0x40: {  	_ =	shalt  }
0x41: {  	_ =	shalt  }
0x42: {  	_ =	shalt  }
0x43: {  	_ =	shalt  }
0x44: {  	_ =	shalt  }
0x45: {  	_ =	shalt  }
0x46: {  	_ =	shalt  }
0x47: {  	_ =	shalt  }
0x48: {  	_ =	shalt  }
0x49: {  	_ =	shalt  }
0x4a: {  	_ =	shalt  }
0x4b: {  	_ =	shalt  }
0x4c: {  	_ =	shalt  }
0x4d: {  	_ =	shalt  }
0x4e: {  	_ =	shalt  }
0x4f: {  	_ =	shalt  }
0x50: {  	_ =	shalt  }
0x51: {  	_ =	shalt  }
0x52: {  	_ =	shalt  }
0x53: {  	_ =	shalt  }
0x54: {  	_ =	shalt  }
0x55: {  	_ =	shalt  }
0x56: {  	_ =	shalt  }
0x57: {  	_ =	shalt  }
0x58: {  	_ =	shalt  }
0x59: {  	_ =	shalt  }
0x5a: {  	_ =	shalt  }
0x5b: {  	_ =	shalt  }
0x5c: {  	_ =	shalt  }
0x5d: {  	_ =	shalt  }
0x5e: {  	_ =	shalt  }
0x5f: {  	_ =	shalt  }
0x60: {  	_ =	shalt  }
0x61: {  	_ =	shalt  }
0x62: {  	_ =	shalt  }
0x63: {  	_ =	shalt  }
0x64: {  	_ =	shalt  }
0x65: {  	_ =	shalt  }
0x66: {  	_ =	shalt  }
0x67: {  	_ =	shalt  }
0x68: {  	_ =	shalt  }
0x69: {  	_ =	shalt  }
0x6a: {  	_ =	shalt  }
0x6b: {  	_ =	shalt  }
0x6c: {  	_ =	shalt  }
0x6d: {  	_ =	shalt  }
0x6e: {  	_ =	shalt  }
0x6f: {  	_ =	shalt  }
0x70: {  	_ =	shalt  }
0x71: {  	_ =	shalt  }
0x72: {  	_ =	shalt  }
0x73: {  	_ =	shalt  }
0x74: {  	_ =	shalt  }
0x75: {  	_ =	shalt  }
0x76: {  	_ =	shalt  }
0x77: {  	_ =	shalt  }
0x78: {  	_ =	shalt  }
0x79: {  	_ =	shalt  }
0x7a: {  	_ =	shalt  }
0x7b: {  	_ =	shalt  }
0x7c: {  	_ =	shalt  }
0x7d: {  	_ =	shalt  }
0x7e: {  	_ =	shalt  }
0x7f: {  	_ =	shalt  }
0x80: {  	_ =	shalt  }
0x81: {  	_ =	shalt  }
0x82: {  	_ =	shalt  }
0x83: {  	_ =	shalt  }
0x84: {  	_ =	shalt  }
0x85: {  	_ =	shalt  }
0x86: {  	_ =	shalt  }
0x87: {  	_ =	shalt  }
.Lfunc_end0:
.L_simem_size_0:
called_computation.2_lowered:
.L_overlay_start_0:
0x88: {  	s2 =	sld [smem:$0x3FD9]  }
0x89: {  	s3 =	sld [smem:$0x3FFE];
	_ =	sdelay $0x1  }
0x8a: {  	s1 =	srdreg.scid  }
0x8b: {  	s0 =	sand.u32 $0x1, s1  }
0x8c: {  	s16 =	sshll.u32 s0, $0xA;
	s2 =	sadd.s32 s3, s2  }
0x8d: {  	s2 =	sadd.s32 s2, s16  }
0x8e: {  	[smem:$0x3FB9] =	sst s2  }
0x8f: {  	_ = 	snop  }
0x90: {  	(tm) =	ssettm $0x1  }
0x91: {  	s17 =	sld [smem:$0x3FFB];
	_ =	sdelay $0x3  }
0x92: {  	_ =	strace s17  }
0x93: {  	s2 =	sld [smem:$0x3FFC];
	_ =	sdelay $0x3  }
0x94: {  	_ =	strace s2  }
0x95: {  	s2 =	sld [smem:$0x3FFD];
	_ =	sdelay $0x3  }
0x96: {  	_ =	strace s2  }
0x97: {  	_ =	strace $0x8FFFFFFF  }
0x98: {  	s18 =	sld [smem:$0x3FDB];
	_ =	sdelay $0x1  }
0x99: {  	s19 =	simm.s32 $_scs_section_size  }
0x9a: {  	s4 =	simm.s32 $_size__tile_overlayer_lowered;
	s5 =	simm.s32 $_tile_overlayer_lowered  }
0x9b: {  	s22 =	simm.s32 $0x1BFF;
	s21 =	sshll.u32 s5, $0x1;
	s2 =	sadd.s32 s19, s18  }
0x9c: {  	s6 =	simm.s32 $0x0;
	s20 =	sshll.u32 s4, $0x1;
	s4 =	sadd.s32 s21, s2  }
0x9d: {  	[timem:s6], [sflag:s22] =	dma.local [hbm:s4], s20  }
0x9e: {  	_ =	swait.ge [sflag:s22], s20  }
0x9f: {  	s3 =	ssub.s32 $0x0, s20;
	[sflag:s22] =	ssyncset.done $0x0  }
0xa0: {  	[sflag:s22] =	ssyncadd.s32 s3;
	_ =	sdelay $0x1  }
0xa1: {  	s23 =	simm.s32 $0x1B8B  }
0xa2: {  	_ =	swait.ge [sflag:s23], $0x1  }
0xa3: {  	[sflag:s23] =	ssyncset.done $0x0  }
0xa4: {  	s25 =	simm.s32 $0x1B8E;
	s24 =	sld [smem:$0x3FFE];
	[sflag:s23] =	ssyncadd.s32 $0xFFFFFFFF  }
0xa5: {  	s26 =	simm.s32 $execute0_lowered;
	[smem:$0x3FD2] =	sst s25  }
0xa6: {  	s4 =	sshll.u32 s26, $0x1;
	_ =	strace $0x8000004C;
	[dreg:$0x1] =	wrdreg $0xFFFFFFFF  }
0xa7: {  	s28 =	simm.s32 $_size_execute0_lowered;
	s2 =	sadd.s32 s2, s4;
	[dreg:$0x0] =	wrdreg $0x0  }
0xa8: {  	s4 =	sshll.u32 s28, $0x1;
	[dreg:$0x2] =	wrdreg s2  }
0xa9: {  	[dreg:$0x3] =	wrdreg s4  }
0xaa: {  	[dreg:$0x4] =	wrdreg $0xC0  }
0xab: {  	_ =	task [dreg:s6], $0x5FFFF  }
0xac: {  	[dreg:$0x1] =	wrdreg $0xFFFFFFFF  }
0xad: {  	[dreg:$0x0] =	wrdreg $0x60  }
0xae: {  	[dreg:$0x2] =	wrdreg s24  }
0xaf: {  	[dreg:$0x3] =	wrdreg $0x68800  }
0xb0: {  	[dreg:$0x4] =	wrdreg $0x9  }
0xb1: {  	_ =	task.clear_ibuf [dreg:s6], $0x5FFFF;
	_ =	strace $0x9000004C  }
0xb2: {  	s29 =	simm.s32 $0x9;
	_ =	strace $0x8000004E  }
0xb3: {  	_ =	swait.ge [sflag:s29], $0x1  }
0xb4: {  	[sflag:s29] =	ssyncadd.s32 $0xFFFFFFFF  }
0xb5: {  	_ =	strace $0x9000004E  }
0xb6: {  	_ =	sfence  }
0xb7: {  	s30 =	sld [smem:$0x0];
	_ =	sdelay $0x2  }
0xb8: {  	s31 =	sshll.u32 s1, $0xD;
	s1 =	sshrl.u32 s1, $0x2  }
0xb9: {  	s3 =	sand.u32 $0x4000, s31;
	s1 =	sadd.s32 s1, s30  }
0xba: {  	s0 =	sor.u32 s3, s0;
	s1 =	sshll.u32 s1, $0x11  }
0xbb: {  	s0 =	sor.u32 s1, s0  }
0xbc: {  	s0 =	sadd.s32 $0x8F2B, s0  }
0xbd: {  	[sflag:s0] =	ssyncadd.remote.s32 $0x1  }
0xbe: {  	_ =	sfence.sel $0xFFFF  }
0xbf: {  	[dreg:$0x0] =	wrdreg $0xFFFFFFFF;
	(pc) =	sbr.abs _section_cstart, $3  }
0xc0: {  	[dreg:$0x1] =	wrdreg $0xFFFFFFFF  }
0xc1: {  	_ =	task.clear_ibuf [dreg:s6], $0x2FFFF;
	_ =	strace $0x9FFFFFFF  }
0xc2: {  	(tm) =	ssettm $0x7FFFFFFF  }
0xc3: {  	_ =	shalt  }
tec
execute0_lowered:
.L_overlay_start_1:
0x0: {  	(tag) =	ssettag $0x1  }
0x1: {  	s0 =	srdreg.scid;
	s6 =	rddreg [dreg:$0x0]  }
0x2: {  	s2 =	rddreg [dreg:$0x1];
	s3 =	simm.s32 $0x0;
	s13 =	simm.s32 $0x1  }
0x3: {  	s14 =	simm.s32 $0x2880;
	s15 =	simm.s32 $0x80;
	s16 =	simm.s32 $0x2800  }
0x4: {  	s20 =	simm.s32 $0x0;
	s5 =	sand.u32 $0x1, s0;
	s0 =	stileid.u32  }
0x5: {  	[smem:$0x7FF] =	sst s3;
	s4 =	sadd.s32 $0x17800, s6;
	s8 =	smul.u32 $0x28000, s5  }
0x6: {  	s1 =	sshll.u32 s5, $0x4;
	s17 =	smul.u32 $0x2800, s0;
	s5 =	ssub.s32 $0x2, s5  }
0x7: {  	s10 =	smul.u32 $0x50000, s0;
	s31 =	sshll.u32 s0, $0x6;
	s1 =	sor.u32 s0, s1  }
0x8: {  	s29 =	sshrl.u32 s5, $0x1;
	s7 =	smul.u32 $0x2800, s1;
	s1 =	rddreg [dreg:$0x2]  }
0x9: {  	_ =	strace $0x8000004D;
	s9 =	sadd.s32 s17, s8;
	s8 =	sadd.s32 s8, s6  }
0xa: {  	s30 =	sshrl.u32 s10, $0x2;
	s9 =	sshrl.u32 s9, $0x3;
	s18 =	sadd.s32 $0x3F800, s8  }
0xb: {  	s7 =	sshrl.u32 s7, $0x3;
	s12 =	sadd.s32 s9, s6;
	s9 =	ssub.s32 s5, s29  }
0xc: {  	s17 =	sadd.s32 s17, s18;
	s18 =	sor.u32 $0x1C01, s31;
	s7 =	sadd.s32 s7, s6  }
0xd: {  	s6 =	sadd.s32 s30, s2;
	s12 =	sadd.s32 $0xD800, s12;
	s5 =	sadd.s32 $0x3800, s7  }
0xe: {  	s7 =	smax.u32 s9, $0x1;
	s8 =	sadd.s32 $0x4000, s6;
	s9 =	sadd.s32 $0x8000, s6  }
0xf: {  	v0 =	vimm.f32 $0.0e+00;
	s10 =	sadd.s32 $0xC000, s6;
	s11 =	sadd.s32 $0x10000, s6;
	s19 =	sshrl.u32 s6, $0x3  }
.LBB2_1:
0x10: {  	[tilespmem:s3], [sflag:$0x1] =	stream.linear.gather [hbm4b:s5+s3], $0x2800, $0x38;
	[tilespmem:$0x1A880] =	vst v63  }
0x11: {  	_ =	swait.ge [sflag:s13], $0x2800  }
0x12: {  	[sflag:s13] =	ssyncset.done $0x0  }
0x13: {  	s21 =	simm.s32 $0x0;
	s22 =	simm.s32 $0x200;
	[sflag:s13] =	ssyncadd.s32 $0xFFFFD800  }
.LBB2_2:
0x14: {  	p0 =	sne.s32 s22, $0xFE00;
	[tilespmem:s21+$0x28F0] =	vst v0  }
0x15: {  	[tilespmem:s21+$0x2880] =	vst v0  }
0x16: {  	[tilespmem:s21+$0x2890] =	vst v0  }
.Ltmp0:
0x17: {  	[tilespmem:s21+$0x28A0] =	vst v0;
	(pc) =	sbr.rel @p0 .LBB2_2-.Ltmp0, $4  }
0x18: {  	[tilespmem:s21+$0x28B0] =	vst v0  }
0x19: {  	[tilespmem:s21+$0x28C0] =	vst v0  }
0x1a: {  	[tilespmem:s21+$0x28D0] =	vst v0  }
0x1b: {  	[tilespmem:s21+$0x28E0] =	vst v0;
	s21 =	sshra.s32 s22, $0x2;
	s22 =	sadd.s32 $0x200, s22  }
0x1c: {  	[tilespmem:s21+$0x28F0] =	vst v0  }
0x1d: {  	[tilespmem:s21+$0x2880] =	vst v0  }
0x1e: {  	[tilespmem:s21+$0x2890] =	vst v0  }
0x1f: {  	[tilespmem:s21+$0x28A0] =	vst v0  }
0x20: {  	[tilespmem:s21+$0x28B0] =	vst v0  }
0x21: {  	[tilespmem:s21+$0x28C0] =	vst v0  }
0x22: {  	[tilespmem:s21+$0x28D0] =	vst v0  }
0x23: {  	[tilespmem:s21+$0x28E0] =	vst v0  }
0x24: {  	[spmem:s6] =	stream.linear.scatter [tilespmem:s14], [sflag:$0x1], $0x4000, $0x38;
	[tilespmem:$0x1A880] =	vst v63  }
0x25: {  	_ =	swait.ge [sflag:s13], $0x4000  }
0x26: {  	[sflag:s13] =	ssyncset.done $0x0  }
0x27: {  	[sflag:s13] =	ssyncadd.s32 $0xFFFFC000  }
0x28: {  	[spmem:s8] =	stream.linear.scatter [tilespmem:s14], [sflag:$0x1], $0x4000, $0x38;
	[tilespmem:$0x1A880] =	vst v63  }
0x29: {  	_ =	swait.ge [sflag:s13], $0x4000  }
0x2a: {  	[sflag:s13] =	ssyncset.done $0x0  }
0x2b: {  	[sflag:s13] =	ssyncadd.s32 $0xFFFFC000  }
0x2c: {  	[spmem:s9] =	stream.linear.scatter [tilespmem:s14], [sflag:$0x1], $0x4000, $0x38;
	[tilespmem:$0x1A880] =	vst v63  }
0x2d: {  	_ =	swait.ge [sflag:s13], $0x4000  }
0x2e: {  	[sflag:s13] =	ssyncset.done $0x0  }
0x2f: {  	[sflag:s13] =	ssyncadd.s32 $0xFFFFC000  }
0x30: {  	[spmem:s10] =	stream.linear.scatter [tilespmem:s14], [sflag:$0x1], $0x4000, $0x38;
	[tilespmem:$0x1A880] =	vst v63  }
0x31: {  	_ =	swait.ge [sflag:s13], $0x4000  }
0x32: {  	[sflag:s13] =	ssyncset.done $0x0  }
0x33: {  	[sflag:s13] =	ssyncadd.s32 $0xFFFFC000  }
0x34: {  	[spmem:s11] =	stream.linear.scatter [tilespmem:s14], [sflag:$0x1], $0x4000, $0x38;
	[tilespmem:$0x1A880] =	vst v63  }
0x35: {  	_ =	swait.ge [sflag:s13], $0x4000  }
0x36: {  	[sflag:s13] =	ssyncset.done $0x0  }
0x37: {  	[sflag:s13] =	ssyncadd.s32 $0xFFFFC000  }
0x38: {  	s21 =	simm.s32 $0x0;
	[bflag:$0x0] =	sbarrier.arrive $0xFFFF  }
0x39: {  	[tilespmem:s14], [sflag:$0x1] =	stream.indirect.gather [hbm4b:s4+s15], $0x80, s21, s15, $0xb8;
	[tilespmem:$0x1A880] =	vst v63  }
0x3a: {  	_ =	swait.ge [sflag:s13], $0x4000  }
0x3b: {  	[sflag:s13] =	ssyncset.done $0x0  }
0x3c: {  	s22 =	sadd.s32 $0x0, s12;
	[sflag:s13] =	ssyncadd.s32 $0xFFFFC000  }
0x3d: {  	[tilespmem:s16], [sflag:$0x1] =	stream.linear.gather [hbm4b:s22+s3], $0x80, $0x38;
	[tilespmem:$0x1A880] =	vst v63  }
0x3e: {  	_ =	swait.ge [sflag:s13], $0x80  }
0x3f: {  	[sflag:s13] =	ssyncset.done $0x0  }
0x40: {  	[sflag:s13] =	ssyncadd.s32 $0xFFFFFF80  }
0x41: {  	[spmem:s2] =	stream.indirect.scatter.add.f32 [tilespmem:s14], [sflag:$0x1], $0x80, s16, s15, $0xb8;
	[tilespmem:$0x1A880] =	vst v63  }
0x42: {  	_ =	swait.ge [sflag:s13], $0x4000  }
0x43: {  	s22 =	simm.s32 $0x10;
	[sflag:s13] =	ssyncset.done $0x0  }
.LBB2_4:
0x44: {  	p0 =	sne.s32 s22, $0x4F0;
	[sflag:s13] =	ssyncadd.s32 $0xFFFFC000;
	s21 =	sadd.s32 $0x80, s21  }
0x45: {  	[tilespmem:s14], [sflag:$0x1] =	stream.indirect.gather [hbm4b:s4+s15], $0x80, s21, s15, $0xb8;
	[tilespmem:$0x1A880] =	vst v63  }
0x46: {  	s23 =	smov.u32 s22;
	s22 =	sadd.s32 $0x10, s22;
	_ =	swait.ge [sflag:s13], $0x4000  }
0x47: {  	[sflag:s13] =	ssyncset.done $0x0  }
0x48: {  	s23 =	sadd.s32 s23, s12;
	[sflag:s13] =	ssyncadd.s32 $0xFFFFC000  }
0x49: {  	[tilespmem:s16], [sflag:$0x1] =	stream.linear.gather [hbm4b:s23+s3], $0x80, $0x38;
	[tilespmem:$0x1A880] =	vst v63  }
0x4a: {  	_ =	swait.ge [sflag:s13], $0x80  }
.Ltmp1:
0x4b: {  	[sflag:s13] =	ssyncset.done $0x0;
	(pc) =	sbr.rel @p0 .LBB2_4-.Ltmp1, $4  }
0x4c: {  	[sflag:s13] =	ssyncadd.s32 $0xFFFFFF80  }
0x4d: {  	[spmem:s2] =	stream.indirect.scatter.add.f32 [tilespmem:s14], [sflag:$0x1], $0x80, s16, s15, $0xb8;
	[tilespmem:$0x1A880] =	vst v63  }
0x4e: {  	_ =	swait.ge [sflag:s13], $0x4000  }
0x4f: {  	[sflag:s13] =	ssyncset.done $0x0  }
0x50: {  	s20 =	sadd.s32 $0x1, s20  }
0x51: {  	[sflag:s13] =	ssyncadd.s32 $0xFFFFC000;
	p0 =	sne.s32 s20, s7  }
.Ltmp2:
0x52: {  	[bflag:$0x0] =	sbarrier.arrive $0xFFFF;
	(pc) =	sbr.rel @p0 .LBB2_1-.Ltmp2, $4  }
0x53: {  	[hbm:s17], [sflag:s18] =	dma.local [spmem:s19], $0x2800  }
0x54: {  	_ =	swait.ge [sflag:s13], $0x2800  }
0x55: {  	[sflag:s13] =	ssyncset.done $0x0  }
0x56: {  	[sflag:s13] =	ssyncadd.s32 $0xFFFFD800  }
0x57: {  	_ =	sfence.sel $0x180000  }
0x58: {  	[bflag:$0x0] =	sbarrier.arrive $0xFFFF  }
0x59: {  	p0 =	sne.s32 s0, $0x0;
	_ =	strace $0x9000004D  }
0x5a: {  	s0 =	sadd.s32 @!p0 $0x100000, s1;
	[bflag:$0x2] =	sbarrier.arrive $0xFFFF  }
0x5b: {  	[sflag:s0] =	ssyncadd.tile.s32 @!p0 $0x1;
	_ =	shalt  }
.Lfunc_end2:
_tile_overlayer_lowered:
.L_overlay_start_2:
0x5c: {  	(tag) =	ssettag $0x2  }
0x5d: {  	s0 =	rddreg [dreg:$0x0];
	s2 =	stileid.u32  }
0x5e: {  	s1 =	rddreg [dreg:$0x1];
	p0 =	sne.s32 s2, $0x0  }
0x5f: {  	s3 =	rddreg [dreg:$0x2];
	[bflag:$0x3] =	sbarrier.arrive $0xFFFF;
	s2 =	simm.s32 @!p0 $0x1C01  }
0x60: {  	[timem:s3], [sflag:s2] =	dma.local @!p0 [hbm:s0], s1  }
0x61: {  	s0 =	simm.s32 @!p0 $0x1  }
0x62: {  	_ =	swait.ge @!p0 [sflag:s0], s1  }
0x63: {  	s1 =	ssub.s32 @!p0 $0x0, s1;
	[sflag:s0] =	ssyncset.done @!p0 $0x0  }
0x64: {  	[sflag:s0] =	ssyncadd.s32 @!p0 s1  }
0x65: {  	[bflag:$0x3] =	sbarrier.arrive $0xFFFF  }
0x66: {  	_ =	shalt  }

// kernel: kernel.20.cloned.1.call-start
scs
__scs_entry_jumppad:
0x0: {  	(pc) =	sbr.rel $0x88, $3  }
0x1: {  	(tag) =	ssettag $0x0;
	lr =	simm.s32 $0x1  }
0x2: {  	[smem:$0x3F92] =	sst lr;
	_ =	strace $0xD0000000  }
0x3: {  	_ = 	snop  }
0x4: {  	_ = 	snop  }
0x5: {  	_ = 	snop  }
0x6: {  	_ = 	snop  }
0x7: {  	_ = 	snop  }
__scs_overlays_trampoline_lowered:
0x8: {  	[smem:$0x3FA1] =	sst s0  }
0x9: {  	[smem:$0x3FA2] =	sst s1  }
0xa: {  	[smem:$0x3FA3] =	sst s2  }
0xb: {  	[smem:$0x3FA4] =	sst s3  }
0xc: {  	[smem:$0x3FA5] =	sst s4  }
0xd: {  	[smem:$0x3FA6] =	sst s5  }
0xe: {  	[smem:$0x3FA7] =	sst s6  }
0xf: {  	[smem:$0x3FA8] =	sst s7  }
0x10: {  	[smem:$0x3FA9] =	sst s8  }
0x11: {  	[smem:$0x3FAA] =	sst s9;
	s0 =	simm.s32 @!p0 $0x0  }
0x12: {  	s1 =	sld [smem:$0x3F90];
	s0 =	simm.s32 @p0 $0x1  }
0x13: {  	[smem:$0x3FAB] =	sst s0;
	s0 =	simm.s32 @!p1 $0x0  }
0x14: {  	s2 =	sld [smem:$0x3F8F];
	s0 =	simm.s32 @p1 $0x1  }
0x15: {  	[smem:$0x3FAC] =	sst s0;
	s0 =	simm.s32 @!p2 $0x0  }
0x16: {  	s3 =	sld [smem:$0x3FDB];
	s0 =	simm.s32 @p2 $0x1  }
0x17: {  	s4 =	simm.s32 $0x1BF5;
	[smem:$0x3FAE] =	sst s0  }
0x18: {  	s0 =	sld [smem:$0x3F91];
	_ =	swait.ge [sflag:s4], $0x0  }
0x19: {  	s7 =	sld [smem:$0x3F92]  }
0x1a: {  	s8 =	sadd.s32 $0xFFFFE003, lr  }
0x1b: {  	s9 =	sadd.s32 $0xFFFFFEF7, lr;
	s5 =	simm.s32 $0xFFFFFFFF;
	p2 =	slt.u32 s8, $0xFFFFF086  }
0x1c: {  	p1 =	slt.u32 s9, $0xF7A;
	s5 =	simm.s32 @!p2 $0x0  }
0x1d: {  	s5 =	simm.s32 @p1 $0x1;
	p0 =	seq.s32 s7, s2  }
0x1e: {  	s7 =	smul.u32 @!p0 $0xF7A, s2;
	p2 =	seq.s32 @!p0 s5, $0x0  }
0x1f: {  	s9 =	smul.u32 $0xF7A, s1;
	s8 =	simm.s32 @!p0 $0x1BF5;
	p2 =	por !p2, p0  }
0x20: {  	[sflag:s8] =	ssyncset.s32 @!p0 $0xFFFFF086;
	s6 =	sadd.s32 @!p0 s3, s7;
	s7 =	simm.s32 @!p0 $0x108  }
0x21: {  	s3 =	sadd.s32 s3, s9;
	s6 =	sadd.s32 @!p0 $0x88, s6;
	s7 =	simm.s32 @p2 $0x1082  }
0x22: {  	[simem:s7], [sflag:s8] =	dma.local @!p0 [hbm:s6], $0xF7A  }
0x23: {  	s9 =	sor.u32 $0xD0000000, s2;
	s6 =	simm.s32 $0x108;
	_ =	swait.ge @!p0 [sflag:s8], $0x0  }
0x24: {  	s3 =	sadd.s32 $0x88, s3;
	s6 =	simm.s32 @!p1 $0x1082;
	[sflag:s4] =	ssyncset.s32 $0xFFFFF086  }
0x25: {  	[simem:s6], [sflag:s4] =	dma.local [hbm:s3], $0xF7A  }
0x26: {  	[smem:$0x3F92] =	sst s1;
	(tag) =	ssettag s2;
	_ =	strace s9  }
0x27: {  	s1 =	sld [smem:$0x3FA2]  }
0x28: {  	s2 =	sld [smem:$0x3FA3]  }
0x29: {  	s4 =	sld [smem:$0x3FA5]  }
0x2a: {  	p0 =	seq.s32 s5, $0x0;
	s5 =	sld [smem:$0x3FA6]  }
0x2b: {  	s6 =	sld [smem:$0x3FA7]  }
0x2c: {  	s7 =	sld [smem:$0x3FA8]  }
0x2d: {  	s3 =	simm.s32 $0x108;
	s8 =	sld [smem:$0x3FA9]  }
0x2e: {  	s3 =	simm.s32 @!p0 $0x1082;
	s9 =	sld [smem:$0x3FAA]  }
0x2f: {  	lr =	sadd.s32 s0, s3;
	s0 =	sld [smem:$0x3FA1]  }
0x30: {  	s3 =	sld [smem:$0x3FA4]  }
0x31: {  	[smem:$0x3FAD] =	sst s10  }
0x32: {  	s10 =	sld [smem:$0x3FAB];
	_ =	sdelay $0x3  }
0x33: {  	p0 =	seq.s32 s10, $0x1;
	s10 =	sld [smem:$0x3FAD];
	_ =	sdelay $0x3  }
0x34: {  	[smem:$0x3FAD] =	sst s10  }
0x35: {  	s10 =	sld [smem:$0x3FAC];
	_ =	sdelay $0x3  }
0x36: {  	p1 =	seq.s32 s10, $0x1;
	s10 =	sld [smem:$0x3FAD];
	_ =	sdelay $0x3  }
0x37: {  	[smem:$0x3FAD] =	sst s10  }
0x38: {  	s10 =	sld [smem:$0x3FAE]  }
0x39: {  	_ = 	snop;
	(pc) =	sbr.ind lr, $3  }
0x3a: {  	_ = 	snop  }
0x3b: {  	_ = 	snop  }
0x3c: {  	p2 =	seq.s32 s10, $0x1;
	s10 =	sld [smem:$0x3FAD]  }
0x3d: {  	_ =	shalt  }
0x3e: {  	_ =	shalt  }
0x3f: {  	_ =	shalt  }
0x40: {  	_ =	shalt  }
0x41: {  	_ =	shalt  }
0x42: {  	_ =	shalt  }
0x43: {  	_ =	shalt  }
0x44: {  	_ =	shalt  }
0x45: {  	_ =	shalt  }
0x46: {  	_ =	shalt  }
0x47: {  	_ =	shalt  }
0x48: {  	_ =	shalt  }
0x49: {  	_ =	shalt  }
0x4a: {  	_ =	shalt  }
0x4b: {  	_ =	shalt  }
0x4c: {  	_ =	shalt  }
0x4d: {  	_ =	shalt  }
0x4e: {  	_ =	shalt  }
0x4f: {  	_ =	shalt  }
0x50: {  	_ =	shalt  }
0x51: {  	_ =	shalt  }
0x52: {  	_ =	shalt  }
0x53: {  	_ =	shalt  }
0x54: {  	_ =	shalt  }
0x55: {  	_ =	shalt  }
0x56: {  	_ =	shalt  }
0x57: {  	_ =	shalt  }
0x58: {  	_ =	shalt  }
0x59: {  	_ =	shalt  }
0x5a: {  	_ =	shalt  }
0x5b: {  	_ =	shalt  }
0x5c: {  	_ =	shalt  }
0x5d: {  	_ =	shalt  }
0x5e: {  	_ =	shalt  }
0x5f: {  	_ =	shalt  }
0x60: {  	_ =	shalt  }
0x61: {  	_ =	shalt  }
0x62: {  	_ =	shalt  }
0x63: {  	_ =	shalt  }
0x64: {  	_ =	shalt  }
0x65: {  	_ =	shalt  }
0x66: {  	_ =	shalt  }
0x67: {  	_ =	shalt  }
0x68: {  	_ =	shalt  }
0x69: {  	_ =	shalt  }
0x6a: {  	_ =	shalt  }
0x6b: {  	_ =	shalt  }
0x6c: {  	_ =	shalt  }
0x6d: {  	_ =	shalt  }
0x6e: {  	_ =	shalt  }
0x6f: {  	_ =	shalt  }
0x70: {  	_ =	shalt  }
0x71: {  	_ =	shalt  }
0x72: {  	_ =	shalt  }
0x73: {  	_ =	shalt  }
0x74: {  	_ =	shalt  }
0x75: {  	_ =	shalt  }
0x76: {  	_ =	shalt  }
0x77: {  	_ =	shalt  }
0x78: {  	_ =	shalt  }
0x79: {  	_ =	shalt  }
0x7a: {  	_ =	shalt  }
0x7b: {  	_ =	shalt  }
0x7c: {  	_ =	shalt  }
0x7d: {  	_ =	shalt  }
0x7e: {  	_ =	shalt  }
0x7f: {  	_ =	shalt  }
0x80: {  	_ =	shalt  }
0x81: {  	_ =	shalt  }
0x82: {  	_ =	shalt  }
0x83: {  	_ =	shalt  }
0x84: {  	_ =	shalt  }
0x85: {  	_ =	shalt  }
0x86: {  	_ =	shalt  }
0x87: {  	_ =	shalt  }
.Lfunc_end0:
.L_simem_size_0:
called_computation.3_lowered:
.L_overlay_start_0:
0x88: {  	s2 =	sld [smem:$0x3FD9]  }
0x89: {  	s3 =	sld [smem:$0x3FFE];
	_ =	sdelay $0x1  }
0x8a: {  	s1 =	srdreg.scid  }
0x8b: {  	s0 =	sand.u32 $0x1, s1  }
0x8c: {  	s16 =	sshll.u32 s0, $0xA;
	s2 =	sadd.s32 s3, s2  }
0x8d: {  	s2 =	sadd.s32 s2, s16  }
0x8e: {  	[smem:$0x3FB9] =	sst s2  }
0x8f: {  	_ = 	snop  }
0x90: {  	(tm) =	ssettm $0x1  }
0x91: {  	s17 =	sld [smem:$0x3FFB];
	_ =	sdelay $0x3  }
0x92: {  	_ =	strace s17  }
0x93: {  	s2 =	sld [smem:$0x3FFC];
	_ =	sdelay $0x3  }
0x94: {  	_ =	strace s2  }
0x95: {  	s2 =	sld [smem:$0x3FFD];
	_ =	sdelay $0x3  }
0x96: {  	_ =	strace s2  }
0x97: {  	_ =	strace $0x8FFFFFFF  }
0x98: {  	s18 =	sld [smem:$0x3FDB];
	_ =	sdelay $0x1  }
0x99: {  	s19 =	simm.s32 $_scs_section_size  }
0x9a: {  	s4 =	simm.s32 $_size__tile_overlayer_lowered;
	s5 =	simm.s32 $_tile_overlayer_lowered  }
0x9b: {  	s22 =	simm.s32 $0x1BFF;
	s21 =	sshll.u32 s5, $0x1;
	s2 =	sadd.s32 s19, s18  }
0x9c: {  	s6 =	simm.s32 $0x0;
	s20 =	sshll.u32 s4, $0x1;
	s4 =	sadd.s32 s21, s2  }
0x9d: {  	[timem:s6], [sflag:s22] =	dma.local [hbm:s4], s20  }
0x9e: {  	_ =	swait.ge [sflag:s22], s20  }
0x9f: {  	s3 =	ssub.s32 $0x0, s20;
	[sflag:s22] =	ssyncset.done $0x0  }
0xa0: {  	[sflag:s22] =	ssyncadd.s32 s3;
	_ =	sdelay $0x1  }
0xa1: {  	s23 =	simm.s32 $0x1B8B  }
0xa2: {  	_ =	swait.ge [sflag:s23], $0x1  }
0xa3: {  	[sflag:s23] =	ssyncset.done $0x0  }
0xa4: {  	s25 =	simm.s32 $0x1B8E;
	s24 =	sld [smem:$0x3FFE];
	[sflag:s23] =	ssyncadd.s32 $0xFFFFFFFF  }
0xa5: {  	s26 =	simm.s32 $execute0_lowered;
	[smem:$0x3FD2] =	sst s25  }
0xa6: {  	s4 =	sshll.u32 s26, $0x1;
	_ =	strace $0x8000004F;
	[dreg:$0x1] =	wrdreg $0xFFFFFFFF  }
0xa7: {  	s28 =	simm.s32 $_size_execute0_lowered;
	s2 =	sadd.s32 s2, s4;
	[dreg:$0x0] =	wrdreg $0x0  }
0xa8: {  	s4 =	sshll.u32 s28, $0x1;
	[dreg:$0x2] =	wrdreg s2  }
0xa9: {  	[dreg:$0x3] =	wrdreg s4  }
0xaa: {  	[dreg:$0x4] =	wrdreg $0xC0  }
0xab: {  	_ =	task [dreg:s6], $0x5FFFF  }
0xac: {  	[dreg:$0x1] =	wrdreg $0xFFFFFFFF  }
0xad: {  	[dreg:$0x0] =	wrdreg $0x60  }
0xae: {  	[dreg:$0x2] =	wrdreg s24  }
0xaf: {  	[dreg:$0x3] =	wrdreg $0x68800  }
0xb0: {  	[dreg:$0x4] =	wrdreg $0x9  }
0xb1: {  	_ =	task.clear_ibuf [dreg:s6], $0x5FFFF;
	_ =	strace $0x9000004F  }
0xb2: {  	s29 =	simm.s32 $0x9;
	_ =	strace $0x80000051  }
0xb3: {  	_ =	swait.ge [sflag:s29], $0x1  }
0xb4: {  	[sflag:s29] =	ssyncadd.s32 $0xFFFFFFFF  }
0xb5: {  	_ =	strace $0x90000051  }
0xb6: {  	_ =	sfence  }
0xb7: {  	s30 =	sld [smem:$0x0];
	_ =	sdelay $0x2  }
0xb8: {  	s31 =	sshll.u32 s1, $0xD;
	s1 =	sshrl.u32 s1, $0x2  }
0xb9: {  	s3 =	sand.u32 $0x4000, s31;
	s1 =	sadd.s32 s1, s30  }
0xba: {  	s0 =	sor.u32 s3, s0;
	s1 =	sshll.u32 s1, $0x11  }
0xbb: {  	s0 =	sor.u32 s1, s0  }
0xbc: {  	s0 =	sadd.s32 $0x8F2B, s0  }
0xbd: {  	[sflag:s0] =	ssyncadd.remote.s32 $0x1  }
0xbe: {  	_ =	sfence.sel $0xFFFF  }
0xbf: {  	[dreg:$0x0] =	wrdreg $0xFFFFFFFF;
	(pc) =	sbr.abs _section_cstart, $3  }
0xc0: {  	[dreg:$0x1] =	wrdreg $0xFFFFFFFF  }
0xc1: {  	_ =	task.clear_ibuf [dreg:s6], $0x2FFFF;
	_ =	strace $0x9FFFFFFF  }
0xc2: {  	(tm) =	ssettm $0x7FFFFFFF  }
0xc3: {  	_ =	shalt  }
tec
execute0_lowered:
.L_overlay_start_1:
0x0: {  	(tag) =	ssettag $0x1  }
0x1: {  	s0 =	srdreg.scid;
	s6 =	rddreg [dreg:$0x0]  }
0x2: {  	s2 =	rddreg [dreg:$0x1];
	s3 =	simm.s32 $0x0;
	s13 =	simm.s32 $0x1  }
0x3: {  	s14 =	simm.s32 $0x2880;
	s15 =	simm.s32 $0x80;
	s16 =	simm.s32 $0x2800  }
0x4: {  	s20 =	simm.s32 $0x0;
	s5 =	sand.u32 $0x1, s0;
	s0 =	stileid.u32  }
0x5: {  	[smem:$0x7FF] =	sst s3;
	s4 =	sadd.s32 $0x17800, s6;
	s8 =	smul.u32 $0x28000, s5  }
0x6: {  	s1 =	sshll.u32 s5, $0x4;
	s17 =	smul.u32 $0x2800, s0;
	s5 =	ssub.s32 $0x2, s5  }
0x7: {  	s10 =	smul.u32 $0x50000, s0;
	s31 =	sshll.u32 s0, $0x6;
	s1 =	sor.u32 s0, s1  }
0x8: {  	s29 =	sshrl.u32 s5, $0x1;
	s7 =	smul.u32 $0x2800, s1;
	s1 =	rddreg [dreg:$0x2]  }
0x9: {  	_ =	strace $0x80000050;
	s9 =	sadd.s32 s17, s8;
	s8 =	sadd.s32 s8, s6  }
0xa: {  	s30 =	sshrl.u32 s10, $0x2;
	s9 =	sshrl.u32 s9, $0x3;
	s18 =	sadd.s32 $0x3F800, s8  }
0xb: {  	s7 =	sshrl.u32 s7, $0x3;
	s12 =	sadd.s32 s9, s6;
	s9 =	ssub.s32 s5, s29  }
0xc: {  	s17 =	sadd.s32 s17, s18;
	s18 =	sor.u32 $0x1C01, s31;
	s7 =	sadd.s32 s7, s6  }
0xd: {  	s6 =	sadd.s32 s30, s2;
	s12 =	sadd.s32 $0xD800, s12;
	s5 =	sadd.s32 $0x3800, s7  }
0xe: {  	s7 =	smax.u32 s9, $0x1;
	s8 =	sadd.s32 $0x4000, s6;
	s9 =	sadd.s32 $0x8000, s6  }
0xf: {  	v0 =	vimm.f32 $0.0e+00;
	s10 =	sadd.s32 $0xC000, s6;
	s11 =	sadd.s32 $0x10000, s6;
	s19 =	sshrl.u32 s6, $0x3  }
.LBB2_1:
0x10: {  	[tilespmem:s3], [sflag:$0x1] =	stream.linear.gather [hbm4b:s5+s3], $0x2800, $0x38;
	[tilespmem:$0x1A880] =	vst v63  }
0x11: {  	_ =	swait.ge [sflag:s13], $0x2800  }
0x12: {  	[sflag:s13] =	ssyncset.done $0x0  }
0x13: {  	s21 =	simm.s32 $0x0;
	s22 =	simm.s32 $0x200;
	[sflag:s13] =	ssyncadd.s32 $0xFFFFD800  }
.LBB2_2:
0x14: {  	p0 =	sne.s32 s22, $0xFE00;
	[tilespmem:s21+$0x28F0] =	vst v0  }
0x15: {  	[tilespmem:s21+$0x2880] =	vst v0  }
0x16: {  	[tilespmem:s21+$0x2890] =	vst v0  }
.Ltmp0:
0x17: {  	[tilespmem:s21+$0x28A0] =	vst v0;
	(pc) =	sbr.rel @p0 .LBB2_2-.Ltmp0, $4  }
0x18: {  	[tilespmem:s21+$0x28B0] =	vst v0  }
0x19: {  	[tilespmem:s21+$0x28C0] =	vst v0  }
0x1a: {  	[tilespmem:s21+$0x28D0] =	vst v0  }
0x1b: {  	[tilespmem:s21+$0x28E0] =	vst v0;
	s21 =	sshra.s32 s22, $0x2;
	s22 =	sadd.s32 $0x200, s22  }
0x1c: {  	[tilespmem:s21+$0x28F0] =	vst v0  }
0x1d: {  	[tilespmem:s21+$0x2880] =	vst v0  }
0x1e: {  	[tilespmem:s21+$0x2890] =	vst v0  }
0x1f: {  	[tilespmem:s21+$0x28A0] =	vst v0  }
0x20: {  	[tilespmem:s21+$0x28B0] =	vst v0  }
0x21: {  	[tilespmem:s21+$0x28C0] =	vst v0  }
0x22: {  	[tilespmem:s21+$0x28D0] =	vst v0  }
0x23: {  	[tilespmem:s21+$0x28E0] =	vst v0  }
0x24: {  	[spmem:s6] =	stream.linear.scatter [tilespmem:s14], [sflag:$0x1], $0x4000, $0x38;
	[tilespmem:$0x1A880] =	vst v63  }
0x25: {  	_ =	swait.ge [sflag:s13], $0x4000  }
0x26: {  	[sflag:s13] =	ssyncset.done $0x0  }
0x27: {  	[sflag:s13] =	ssyncadd.s32 $0xFFFFC000  }
0x28: {  	[spmem:s8] =	stream.linear.scatter [tilespmem:s14], [sflag:$0x1], $0x4000, $0x38;
	[tilespmem:$0x1A880] =	vst v63  }
0x29: {  	_ =	swait.ge [sflag:s13], $0x4000  }
0x2a: {  	[sflag:s13] =	ssyncset.done $0x0  }
0x2b: {  	[sflag:s13] =	ssyncadd.s32 $0xFFFFC000  }
0x2c: {  	[spmem:s9] =	stream.linear.scatter [tilespmem:s14], [sflag:$0x1], $0x4000, $0x38;
	[tilespmem:$0x1A880] =	vst v63  }
0x2d: {  	_ =	swait.ge [sflag:s13], $0x4000  }
0x2e: {  	[sflag:s13] =	ssyncset.done $0x0  }
0x2f: {  	[sflag:s13] =	ssyncadd.s32 $0xFFFFC000  }
0x30: {  	[spmem:s10] =	stream.linear.scatter [tilespmem:s14], [sflag:$0x1], $0x4000, $0x38;
	[tilespmem:$0x1A880] =	vst v63  }
0x31: {  	_ =	swait.ge [sflag:s13], $0x4000  }
0x32: {  	[sflag:s13] =	ssyncset.done $0x0  }
0x33: {  	[sflag:s13] =	ssyncadd.s32 $0xFFFFC000  }
0x34: {  	[spmem:s11] =	stream.linear.scatter [tilespmem:s14], [sflag:$0x1], $0x4000, $0x38;
	[tilespmem:$0x1A880] =	vst v63  }
0x35: {  	_ =	swait.ge [sflag:s13], $0x4000  }
0x36: {  	[sflag:s13] =	ssyncset.done $0x0  }
0x37: {  	[sflag:s13] =	ssyncadd.s32 $0xFFFFC000  }
0x38: {  	s21 =	simm.s32 $0x0;
	[bflag:$0x0] =	sbarrier.arrive $0xFFFF  }
0x39: {  	[tilespmem:s14], [sflag:$0x1] =	stream.indirect.gather [hbm4b:s4+s15], $0x80, s21, s15, $0xb8;
	[tilespmem:$0x1A880] =	vst v63  }
0x3a: {  	_ =	swait.ge [sflag:s13], $0x4000  }
0x3b: {  	[sflag:s13] =	ssyncset.done $0x0  }
0x3c: {  	s22 =	sadd.s32 $0x0, s12;
	[sflag:s13] =	ssyncadd.s32 $0xFFFFC000  }
0x3d: {  	[tilespmem:s16], [sflag:$0x1] =	stream.linear.gather [hbm4b:s22+s3], $0x80, $0x38;
	[tilespmem:$0x1A880] =	vst v63  }
0x3e: {  	_ =	swait.ge [sflag:s13], $0x80  }
0x3f: {  	[sflag:s13] =	ssyncset.done $0x0  }
0x40: {  	[sflag:s13] =	ssyncadd.s32 $0xFFFFFF80  }
0x41: {  	[spmem:s2] =	stream.indirect.scatter.add.f32 [tilespmem:s14], [sflag:$0x1], $0x80, s16, s15, $0xb8;
	[tilespmem:$0x1A880] =	vst v63  }
0x42: {  	_ =	swait.ge [sflag:s13], $0x4000  }
0x43: {  	s22 =	simm.s32 $0x10;
	[sflag:s13] =	ssyncset.done $0x0  }
.LBB2_4:
0x44: {  	p0 =	sne.s32 s22, $0x4F0;
	[sflag:s13] =	ssyncadd.s32 $0xFFFFC000;
	s21 =	sadd.s32 $0x80, s21  }
0x45: {  	[tilespmem:s14], [sflag:$0x1] =	stream.indirect.gather [hbm4b:s4+s15], $0x80, s21, s15, $0xb8;
	[tilespmem:$0x1A880] =	vst v63  }
0x46: {  	s23 =	smov.u32 s22;
	s22 =	sadd.s32 $0x10, s22;
	_ =	swait.ge [sflag:s13], $0x4000  }
0x47: {  	[sflag:s13] =	ssyncset.done $0x0  }
0x48: {  	s23 =	sadd.s32 s23, s12;
	[sflag:s13] =	ssyncadd.s32 $0xFFFFC000  }
0x49: {  	[tilespmem:s16], [sflag:$0x1] =	stream.linear.gather [hbm4b:s23+s3], $0x80, $0x38;
	[tilespmem:$0x1A880] =	vst v63  }
0x4a: {  	_ =	swait.ge [sflag:s13], $0x80  }
.Ltmp1:
0x4b: {  	[sflag:s13] =	ssyncset.done $0x0;
	(pc) =	sbr.rel @p0 .LBB2_4-.Ltmp1, $4  }
0x4c: {  	[sflag:s13] =	ssyncadd.s32 $0xFFFFFF80  }
0x4d: {  	[spmem:s2] =	stream.indirect.scatter.add.f32 [tilespmem:s14], [sflag:$0x1], $0x80, s16, s15, $0xb8;
	[tilespmem:$0x1A880] =	vst v63  }
0x4e: {  	_ =	swait.ge [sflag:s13], $0x4000  }
0x4f: {  	[sflag:s13] =	ssyncset.done $0x0  }
0x50: {  	s20 =	sadd.s32 $0x1, s20  }
0x51: {  	[sflag:s13] =	ssyncadd.s32 $0xFFFFC000;
	p0 =	sne.s32 s20, s7  }
.Ltmp2:
0x52: {  	[bflag:$0x0] =	sbarrier.arrive $0xFFFF;
	(pc) =	sbr.rel @p0 .LBB2_1-.Ltmp2, $4  }
0x53: {  	[hbm:s17], [sflag:s18] =	dma.local [spmem:s19], $0x2800  }
0x54: {  	_ =	swait.ge [sflag:s13], $0x2800  }
0x55: {  	[sflag:s13] =	ssyncset.done $0x0  }
0x56: {  	[sflag:s13] =	ssyncadd.s32 $0xFFFFD800  }
0x57: {  	_ =	sfence.sel $0x180000  }
0x58: {  	[bflag:$0x0] =	sbarrier.arrive $0xFFFF  }
0x59: {  	p0 =	sne.s32 s0, $0x0;
	_ =	strace $0x90000050  }
0x5a: {  	s0 =	sadd.s32 @!p0 $0x100000, s1;
	[bflag:$0x2] =	sbarrier.arrive $0xFFFF  }
0x5b: {  	[sflag:s0] =	ssyncadd.tile.s32 @!p0 $0x1;
	_ =	shalt  }
.Lfunc_end2:
_tile_overlayer_lowered:
.L_overlay_start_2:
0x5c: {  	(tag) =	ssettag $0x2  }
0x5d: {  	s0 =	rddreg [dreg:$0x0];
	s2 =	stileid.u32  }
0x5e: {  	s1 =	rddreg [dreg:$0x1];
	p0 =	sne.s32 s2, $0x0  }
0x5f: {  	s3 =	rddreg [dreg:$0x2];
	[bflag:$0x3] =	sbarrier.arrive $0xFFFF;
	s2 =	simm.s32 @!p0 $0x1C01  }
0x60: {  	[timem:s3], [sflag:s2] =	dma.local @!p0 [hbm:s0], s1  }
0x61: {  	s0 =	simm.s32 @!p0 $0x1  }
0x62: {  	_ =	swait.ge @!p0 [sflag:s0], s1  }
0x63: {  	s1 =	ssub.s32 @!p0 $0x0, s1;
	[sflag:s0] =	ssyncset.done @!p0 $0x0  }
0x64: {  	[sflag:s0] =	ssyncadd.s32 @!p0 s1  }
0x65: {  	[bflag:$0x3] =	sbarrier.arrive $0xFFFF  }
0x66: {  	_ =	shalt  }

</sc_bundles>
